<compile_context>
chip_gen: v7x
topology: tpu7x:2x2x1
jax: 0.10.2.dev20260603
libtpu: 0.0.44.dev20260713+nightly
codegen_flags: <defaults>
</compile_context>

<pallas_src>
import functools

import jax
import jax.numpy as jnp
from jax import lax
from jax.experimental import pallas as pl
from jax.experimental.pallas import tpu as pltpu
from jax.experimental.pallas import tpu_sc as plsc

B = 16384
N_SPARSE = 26
N_DENSE = 7
N_COLS = N_SPARSE + N_DENSE
VOCAB = 1000

NUM_CORES = 2
NUM_SUBCORES = 16
NW = NUM_CORES * NUM_SUBCORES
ROWS_PER_W = B // NW
LANES = 16
GROUPS = ROWS_PER_W // LANES
TABLE_WORDS = N_SPARSE * VOCAB
FBLOCKS = (3, 6, 8, 9)


@functools.partial(
    pl.kernel,
    mesh=plsc.VectorSubcoreMesh(core_axis_name="c", subcore_axis_name="s"),
    out_type=jax.ShapeDtypeStruct((B,), jnp.float32),
    compiler_params=pltpu.CompilerParams(needs_layout_passes=False),
    scratch_types=[
        pltpu.VMEM((N_COLS, ROWS_PER_W), jnp.float32),
        pltpu.VMEM((TABLE_WORDS + 16,), jnp.float32),
        pltpu.VMEM((ROWS_PER_W,), jnp.float32),
        pltpu.SemaphoreType.DMA,
        pltpu.SemaphoreType.DMA,
        pltpu.SemaphoreType.DMA,
        pltpu.SemaphoreType.DMA,
        pltpu.SemaphoreType.DMA,
    ],
)
def _linear_logit_sc(
    xt_hbm, t_hbm, out_hbm, xv, tv, ov, semxd, st0, st1, st2, st3
):
    wid = lax.axis_index("s") * NUM_CORES + lax.axis_index("c")
    base = wid * ROWS_PER_W
    xcp = pltpu.async_copy(
        xt_hbm.at[:, pl.ds(base, ROWS_PER_W)], xv, semxd
    )
    pltpu.sync_copy(
        t_hbm.at[pl.ds(TABLE_WORDS, 8)], tv.at[pl.ds(TABLE_WORDS, 8)]
    )
    tsems = [st0, st1, st2, st3]
    tcps = []
    f0 = 0
    fstarts = []
    for bi, nf in enumerate(FBLOCKS):
        fstarts.append(f0)
        tcps.append(
            pltpu.async_copy(
                t_hbm.at[pl.ds(f0 * VOCAB, nf * VOCAB)],
                tv.at[pl.ds(f0 * VOCAB, nf * VOCAB)],
                tsems[bi],
            )
        )
        f0 += nf

    wvec = tv[pl.ds(TABLE_WORDS, LANES)]
    wsplat = [wvec[d] for d in range(N_DENSE)]
    xcp.wait()

    @plsc.parallel_loop(0, GROUPS)
    def dense(g):
        r0 = g * LANES
        acc = xv[N_SPARSE, pl.ds(r0, LANES)] * wsplat[0]
        for d in range(1, N_DENSE):
            acc = acc + xv[N_SPARSE + d, pl.ds(r0, LANES)] * wsplat[d]
        ov[pl.ds(r0, LANES)] = acc

    for bi, nf in enumerate(FBLOCKS):
        tcps[bi].wait()
        fs = fstarts[bi]

        @plsc.parallel_loop(0, GROUPS)
        def sparse(g, fs=fs, nf=nf):
            r0 = g * LANES
            acc = ov[pl.ds(r0, LANES)]
            for f in range(fs, fs + nf):
                ids = xv[f, pl.ds(r0, LANES)].astype(jnp.int32)
                acc = acc + plsc.load_gather(tv, [ids + f * VOCAB])
            ov[pl.ds(r0, LANES)] = acc

    pltpu.sync_copy(ov, out_hbm.at[pl.ds(base, ROWS_PER_W)])


def kernel(X, emb_tables, dense_weight):
    xt = X.T
    t_flat = jnp.concatenate([
        emb_tables.reshape(-1),
        jnp.pad(dense_weight.reshape(-1), (0, 8 - N_DENSE)),
    ])
    out = _linear_logit_sc(xt, t_flat)
    return out.reshape(B, 1)

# --- scband reference (transcript-rebuilt; emitter-appended) ---
"""Pipeline reference for scband-base-model-20126216749644 (READ-ONLY COPY).

The authoritative reference and input builder live on the scoring server;
editing this copy changes nothing except your own understanding.
"""

import jax, jax.numpy as jnp
import numpy as np

B = 16384
N_SPARSE = 26
N_DENSE = 7
VOCAB = 1000


def setup_inputs(seed: int = 0) -> dict:
    key = jax.random.key(seed)
    ks = jax.random.split(key, 3)
    # X layout: first N_SPARSE columns are integer ids (stored as float),
    # next N_DENSE columns are dense float features.
    sparse_part = jax.random.randint(ks[0], (B, N_SPARSE), 0, VOCAB).astype(jnp.float32)
    dense_part = jax.random.uniform(ks[1], (B, N_DENSE), dtype=jnp.float32)
    X = jnp.concatenate([sparse_part, dense_part], axis=1)
    # Embedding tables: one per sparse field, embedding_size = 1 (linear logit term)
    emb_keys = jax.random.split(ks[2], N_SPARSE + 1)
    tables = [0.0001 * jax.random.normal(emb_keys[i], (VOCAB, 1), dtype=jnp.float32) for i in range(N_SPARSE)]
    emb_tables = jnp.stack(tables, axis=0)  # [N_SPARSE, VOCAB, 1]
    dense_weight = 0.0001 * jax.random.normal(emb_keys[N_SPARSE], (N_DENSE, 1), dtype=jnp.float32)
    return {"X": X, "emb_tables": emb_tables, "dense_weight": dense_weight}


def reference(X, emb_tables, dense_weight):
    # Sparse part: for each field f, lookup emb_tables[f][X[:, f]] -> [B, 1, 1]
    sparse_ids = X[:, :N_SPARSE].astype(jnp.int32)  # [B, N_SPARSE]
    # Gather per-field embeddings: emb_tables[f, sparse_ids[:, f]] -> [B, N_SPARSE, 1]
    sparse_embs = []
    for f in range(N_SPARSE):
        e = jnp.take(emb_tables[f], sparse_ids[:, f], axis=0)  # [B, 1]
        sparse_embs.append(e[:, None, :])  # [B, 1, 1]
    # cat along last dim then sum over last dim (embedding size 1 each -> cat dim -1 gives [B,1,N_SPARSE])
    cat = jnp.concatenate(sparse_embs, axis=-1)  # [B, 1, N_SPARSE]
    linear_sparse_logit = jnp.sum(cat, axis=-1, keepdims=False)  # [B, 1]
    # Dense part
    dense_vals = X[:, N_SPARSE:N_SPARSE + N_DENSE]  # [B, N_DENSE]
    linear_dense_logit = dense_vals @ dense_weight  # [B, 1]
    linear_logit = linear_sparse_logit + linear_dense_logit
    return linear_logit

if __name__ == "__main__":
    import jax
    _d = setup_inputs()
    print(jax.jit(kernel)(*tuple(_d.values())))

</pallas_src>

<mosaic_0001>
#map = affine_map<(d0, d1) -> (0, 0)>
#map1 = affine_map<(d0, d1) -> (0)>
module attributes {stable_mosaic.version = 14 : i64} {
  func.func @_linear_logit_sc(%arg0: i32, %arg1: i32, %arg2: memref<33x16384xf32, #tpu.memory_space<hbm>>, %arg3: memref<26008xf32, #tpu.memory_space<hbm>>, %arg4: memref<16384xf32, #tpu.memory_space<hbm>>, %arg5: memref<33x512xf32, #tpu.memory_space<vmem>>, %arg6: memref<26016xf32, #tpu.memory_space<vmem>>, %arg7: memref<512xf32, #tpu.memory_space<vmem>>, %arg8: memref<!tpu.dma_semaphore, #tpu.memory_space<semaphore_mem>>, %arg9: memref<!tpu.dma_semaphore, #tpu.memory_space<semaphore_mem>>, %arg10: memref<!tpu.dma_semaphore, #tpu.memory_space<semaphore_mem>>, %arg11: memref<!tpu.dma_semaphore, #tpu.memory_space<semaphore_mem>>, %arg12: memref<!tpu.dma_semaphore, #tpu.memory_space<semaphore_mem>>) attributes {dimension_semantics = [#tpu.dimension_semantics<core_parallel>, #tpu.dimension_semantics<subcore_parallel>], iteration_bounds = array<i64: 2, 16>, scalar_prefetch = 0 : i64, scratch_operands = 8 : i64, tpu.core_type = #tpu.core_type<sc_vector_subcore>, window_params = [{transform_indices = #map}, {transform_indices = #map1}, {transform_indices = #map1}]} {
    %mul3A = arith.constant 2 : i32
    %mul3A_0 = arith.muli %arg1, %mul3A : i32
    %add3A = arith.addi %mul3A_0, %arg0 : i32
    %mul3A_1 = arith.constant 512 : i32
    %mul3A_2 = arith.muli %add3A, %mul3A_1 : i32
    %dma_start3A = arith.constant 0 : i32
    %dma_start3A_3 = tpu.memref_slice %arg2[%dma_start3A, %mul3A_2] : memref<33x16384xf32, #tpu.memory_space<hbm>> -> memref<33x512xf32, #tpu.memory_space<hbm>>
    %dma_start3A_4 = arith.constant 0 : i32
    %dma_start3A_5 = tpu.memref_slice %arg2[%dma_start3A_4, %mul3A_2] : memref<33x16384xf32, #tpu.memory_space<hbm>> -> memref<33x512xf32, #tpu.memory_space<hbm>>
    tpu.enqueue_dma source(%dma_start3A_5 : memref<33x512xf32, #tpu.memory_space<hbm>>) target(%arg5 : memref<33x512xf32, #tpu.memory_space<vmem>>) target_semaphore(%arg8 : memref<!tpu.dma_semaphore, #tpu.memory_space<semaphore_mem>>)
    "tpu.region"() ({
      %run_scoped3A = tpu.sem_alloc : memref<!tpu.dma_semaphore, #tpu.memory_space<semaphore_mem>>
      %dma_start3A_100 = arith.constant 26000 : i32
      %dma_start3A_101 = tpu.memref_slice %arg6[%dma_start3A_100] : memref<26016xf32, #tpu.memory_space<vmem>> -> memref<8xf32, #tpu.memory_space<vmem>>
      %dma_start3A_102 = arith.constant 26000 : i32
      %dma_start3A_103 = tpu.memref_slice %arg3[%dma_start3A_102] : memref<26008xf32, #tpu.memory_space<hbm>> -> memref<8xf32, #tpu.memory_space<hbm>>
      %dma_start3A_104 = arith.constant 26000 : i32
      %dma_start3A_105 = tpu.memref_slice %arg6[%dma_start3A_104] : memref<26016xf32, #tpu.memory_space<vmem>> -> memref<8xf32, #tpu.memory_space<vmem>>
      %dma_start3A_106 = arith.constant 26000 : i32
      %dma_start3A_107 = tpu.memref_slice %arg3[%dma_start3A_106] : memref<26008xf32, #tpu.memory_space<hbm>> -> memref<8xf32, #tpu.memory_space<hbm>>
      tpu.enqueue_dma source(%dma_start3A_107 : memref<8xf32, #tpu.memory_space<hbm>>) target(%dma_start3A_105 : memref<8xf32, #tpu.memory_space<vmem>>) target_semaphore(%run_scoped3A : memref<!tpu.dma_semaphore, #tpu.memory_space<semaphore_mem>>)
      %dma_wait3A_108 = arith.constant 26000 : i32
      %dma_wait3A_109 = tpu.memref_slice %arg6[%dma_wait3A_108] : memref<26016xf32, #tpu.memory_space<vmem>> -> memref<8xf32, #tpu.memory_space<vmem>>
      %dma_wait3A_110 = arith.constant 26000 : i32
      %dma_wait3A_111 = tpu.memref_slice %arg3[%dma_wait3A_110] : memref<26008xf32, #tpu.memory_space<hbm>> -> memref<8xf32, #tpu.memory_space<hbm>>
      %dma_wait3A_112 = arith.constant 26000 : i32
      %dma_wait3A_113 = tpu.memref_slice %arg6[%dma_wait3A_112] : memref<26016xf32, #tpu.memory_space<vmem>> -> memref<8xf32, #tpu.memory_space<vmem>>
      %dma_wait3A_114 = arith.constant 26000 : i32
      %dma_wait3A_115 = tpu.memref_slice %arg3[%dma_wait3A_114] : memref<26008xf32, #tpu.memory_space<hbm>> -> memref<8xf32, #tpu.memory_space<hbm>>
      tpu.wait_dma2 semaphore(%run_scoped3A : memref<!tpu.dma_semaphore, #tpu.memory_space<semaphore_mem>>) src(%dma_wait3A_115 : memref<8xf32, #tpu.memory_space<hbm>>) dst(%dma_wait3A_113 : memref<8xf32, #tpu.memory_space<vmem>>)
      tpu.yield
    }) : () -> ()
    %dma_start3A_6 = arith.constant 0 : i32
    %dma_start3A_7 = tpu.memref_slice %arg6[%dma_start3A_6] : memref<26016xf32, #tpu.memory_space<vmem>> -> memref<3000xf32, #tpu.memory_space<vmem>>
    %dma_start3A_8 = arith.constant 0 : i32
    %dma_start3A_9 = tpu.memref_slice %arg3[%dma_start3A_8] : memref<26008xf32, #tpu.memory_space<hbm>> -> memref<3000xf32, #tpu.memory_space<hbm>>
    %dma_start3A_10 = arith.constant 0 : i32
    %dma_start3A_11 = tpu.memref_slice %arg6[%dma_start3A_10] : memref<26016xf32, #tpu.memory_space<vmem>> -> memref<3000xf32, #tpu.memory_space<vmem>>
    %dma_start3A_12 = arith.constant 0 : i32
    %dma_start3A_13 = tpu.memref_slice %arg3[%dma_start3A_12] : memref<26008xf32, #tpu.memory_space<hbm>> -> memref<3000xf32, #tpu.memory_space<hbm>>
    tpu.enqueue_dma source(%dma_start3A_13 : memref<3000xf32, #tpu.memory_space<hbm>>) target(%dma_start3A_11 : memref<3000xf32, #tpu.memory_space<vmem>>) target_semaphore(%arg9 : memref<!tpu.dma_semaphore, #tpu.memory_space<semaphore_mem>>)
    %dma_start3A_14 = arith.constant 3000 : i32
    %dma_start3A_15 = tpu.memref_slice %arg6[%dma_start3A_14] : memref<26016xf32, #tpu.memory_space<vmem>> -> memref<6000xf32, #tpu.memory_space<vmem>>
    %dma_start3A_16 = arith.constant 3000 : i32
    %dma_start3A_17 = tpu.memref_slice %arg3[%dma_start3A_16] : memref<26008xf32, #tpu.memory_space<hbm>> -> memref<6000xf32, #tpu.memory_space<hbm>>
    %dma_start3A_18 = arith.constant 3000 : i32
    %dma_start3A_19 = tpu.memref_slice %arg6[%dma_start3A_18] : memref<26016xf32, #tpu.memory_space<vmem>> -> memref<6000xf32, #tpu.memory_space<vmem>>
    %dma_start3A_20 = arith.constant 3000 : i32
    %dma_start3A_21 = tpu.memref_slice %arg3[%dma_start3A_20] : memref<26008xf32, #tpu.memory_space<hbm>> -> memref<6000xf32, #tpu.memory_space<hbm>>
    tpu.enqueue_dma source(%dma_start3A_21 : memref<6000xf32, #tpu.memory_space<hbm>>) target(%dma_start3A_19 : memref<6000xf32, #tpu.memory_space<vmem>>) target_semaphore(%arg10 : memref<!tpu.dma_semaphore, #tpu.memory_space<semaphore_mem>>)
    %dma_start3A_22 = arith.constant 9000 : i32
    %dma_start3A_23 = tpu.memref_slice %arg6[%dma_start3A_22] : memref<26016xf32, #tpu.memory_space<vmem>> -> memref<8000xf32, #tpu.memory_space<vmem>>
    %dma_start3A_24 = arith.constant 9000 : i32
    %dma_start3A_25 = tpu.memref_slice %arg3[%dma_start3A_24] : memref<26008xf32, #tpu.memory_space<hbm>> -> memref<8000xf32, #tpu.memory_space<hbm>>
    %dma_start3A_26 = arith.constant 9000 : i32
    %dma_start3A_27 = tpu.memref_slice %arg6[%dma_start3A_26] : memref<26016xf32, #tpu.memory_space<vmem>> -> memref<8000xf32, #tpu.memory_space<vmem>>
    %dma_start3A_28 = arith.constant 9000 : i32
    %dma_start3A_29 = tpu.memref_slice %arg3[%dma_start3A_28] : memref<26008xf32, #tpu.memory_space<hbm>> -> memref<8000xf32, #tpu.memory_space<hbm>>
    tpu.enqueue_dma source(%dma_start3A_29 : memref<8000xf32, #tpu.memory_space<hbm>>) target(%dma_start3A_27 : memref<8000xf32, #tpu.memory_space<vmem>>) target_semaphore(%arg11 : memref<!tpu.dma_semaphore, #tpu.memory_space<semaphore_mem>>)
    %dma_start3A_30 = arith.constant 17000 : i32
    %dma_start3A_31 = tpu.memref_slice %arg6[%dma_start3A_30] : memref<26016xf32, #tpu.memory_space<vmem>> -> memref<9000xf32, #tpu.memory_space<vmem>>
    %dma_start3A_32 = arith.constant 17000 : i32
    %dma_start3A_33 = tpu.memref_slice %arg3[%dma_start3A_32] : memref<26008xf32, #tpu.memory_space<hbm>> -> memref<9000xf32, #tpu.memory_space<hbm>>
    %dma_start3A_34 = arith.constant 17000 : i32
    %dma_start3A_35 = tpu.memref_slice %arg6[%dma_start3A_34] : memref<26016xf32, #tpu.memory_space<vmem>> -> memref<9000xf32, #tpu.memory_space<vmem>>
    %dma_start3A_36 = arith.constant 17000 : i32
    %dma_start3A_37 = tpu.memref_slice %arg3[%dma_start3A_36] : memref<26008xf32, #tpu.memory_space<hbm>> -> memref<9000xf32, #tpu.memory_space<hbm>>
    tpu.enqueue_dma source(%dma_start3A_37 : memref<9000xf32, #tpu.memory_space<hbm>>) target(%dma_start3A_35 : memref<9000xf32, #tpu.memory_space<vmem>>) target_semaphore(%arg12 : memref<!tpu.dma_semaphore, #tpu.memory_space<semaphore_mem>>)
    %get3A = arith.constant 26000 : index
    %get3A_38 = tpu.vector_load %arg6[%get3A] {strides = array<i32>} : memref<26016xf32, #tpu.memory_space<vmem>>, vector<16xf32>,
    %slice3A = vector.extract_strided_slice %get3A_38 {offsets = [0], sizes = [1], strides = [1]} : vector<16xf32> to vector<1xf32>
    %squeeze3A = vector.extract %slice3A[0] : f32 from vector<1xf32>
    %slice3A_39 = vector.extract_strided_slice %get3A_38 {offsets = [1], sizes = [1], strides = [1]} : vector<16xf32> to vector<1xf32>
    %squeeze3A_40 = vector.extract %slice3A_39[0] : f32 from vector<1xf32>
    %slice3A_41 = vector.extract_strided_slice %get3A_38 {offsets = [2], sizes = [1], strides = [1]} : vector<16xf32> to vector<1xf32>
    %squeeze3A_42 = vector.extract %slice3A_41[0] : f32 from vector<1xf32>
    %slice3A_43 = vector.extract_strided_slice %get3A_38 {offsets = [3], sizes = [1], strides = [1]} : vector<16xf32> to vector<1xf32>
    %squeeze3A_44 = vector.extract %slice3A_43[0] : f32 from vector<1xf32>
    %slice3A_45 = vector.extract_strided_slice %get3A_38 {offsets = [4], sizes = [1], strides = [1]} : vector<16xf32> to vector<1xf32>
    %squeeze3A_46 = vector.extract %slice3A_45[0] : f32 from vector<1xf32>
    %slice3A_47 = vector.extract_strided_slice %get3A_38 {offsets = [5], sizes = [1], strides = [1]} : vector<16xf32> to vector<1xf32>
    %squeeze3A_48 = vector.extract %slice3A_47[0] : f32 from vector<1xf32>
    %slice3A_49 = vector.extract_strided_slice %get3A_38 {offsets = [6], sizes = [1], strides = [1]} : vector<16xf32> to vector<1xf32>
    %squeeze3A_50 = vector.extract %slice3A_49[0] : f32 from vector<1xf32>
    %dma_wait3A = arith.constant 0 : i32
    %dma_wait3A_51 = tpu.memref_slice %arg2[%dma_wait3A, %mul3A_2] : memref<33x16384xf32, #tpu.memory_space<hbm>> -> memref<33x512xf32, #tpu.memory_space<hbm>>
    %dma_wait3A_52 = arith.constant 0 : i32
    %dma_wait3A_53 = tpu.memref_slice %arg2[%dma_wait3A_52, %mul3A_2] : memref<33x16384xf32, #tpu.memory_space<hbm>> -> memref<33x512xf32, #tpu.memory_space<hbm>>
    tpu.wait_dma2 semaphore(%arg8 : memref<!tpu.dma_semaphore, #tpu.memory_space<semaphore_mem>>) src(%dma_wait3A_53 : memref<33x512xf32, #tpu.memory_space<hbm>>) dst(%arg5 : memref<33x512xf32, #tpu.memory_space<vmem>>)
    %parallel_loop3A = arith.constant 0 : i32
    %parallel_loop3A_54 = arith.constant 32 : i32
    %parallel_loop3A_55 = arith.constant 1 : i32
    scf.for %parallel_loop3A_100 = %parallel_loop3A to %parallel_loop3A_54 step %parallel_loop3A_55  : i32 {
      %parallel_loop3A_101 = arith.constant 16 : i32
      %parallel_loop3A_102 = arith.muli %parallel_loop3A_100, %parallel_loop3A_101 : i32
      %parallel_loop3A_103 = arith.constant 26 : i32
      %parallel_loop3A_104 = arith.index_cast %parallel_loop3A_103 : i32 to index
      %parallel_loop3A_105 = arith.index_cast %parallel_loop3A_102 : i32 to index
      %parallel_loop3A_106 = tpu.vector_load %arg5[%parallel_loop3A_104, %parallel_loop3A_105] {strides = array<i32>} : memref<33x512xf32, #tpu.memory_space<vmem>>, vector<16xf32>,
      %parallel_loop3A_107 = vector.broadcast %squeeze3A : f32 to vector<16xf32>
      %parallel_loop3A_108 = arith.mulf %parallel_loop3A_106, %parallel_loop3A_107 : vector<16xf32>
      %parallel_loop3A_109 = arith.constant 27 : i32
      %parallel_loop3A_110 = arith.index_cast %parallel_loop3A_109 : i32 to index
      %parallel_loop3A_111 = arith.index_cast %parallel_loop3A_102 : i32 to index
      %parallel_loop3A_112 = tpu.vector_load %arg5[%parallel_loop3A_110, %parallel_loop3A_111] {strides = array<i32>} : memref<33x512xf32, #tpu.memory_space<vmem>>, vector<16xf32>,
      %parallel_loop3A_113 = vector.broadcast %squeeze3A_40 : f32 to vector<16xf32>
      %parallel_loop3A_114 = arith.mulf %parallel_loop3A_112, %parallel_loop3A_113 : vector<16xf32>
      %parallel_loop3A_115 = arith.addf %parallel_loop3A_108, %parallel_loop3A_114 : vector<16xf32>
      %parallel_loop3A_116 = arith.constant 28 : i32
      %parallel_loop3A_117 = arith.index_cast %parallel_loop3A_116 : i32 to index
      %parallel_loop3A_118 = arith.index_cast %parallel_loop3A_102 : i32 to index
      %parallel_loop3A_119 = tpu.vector_load %arg5[%parallel_loop3A_117, %parallel_loop3A_118] {strides = array<i32>} : memref<33x512xf32, #tpu.memory_space<vmem>>, vector<16xf32>,
      %parallel_loop3A_120 = vector.broadcast %squeeze3A_42 : f32 to vector<16xf32>
      %parallel_loop3A_121 = arith.mulf %parallel_loop3A_119, %parallel_loop3A_120 : vector<16xf32>
      %parallel_loop3A_122 = arith.addf %parallel_loop3A_115, %parallel_loop3A_121 : vector<16xf32>
      %parallel_loop3A_123 = arith.constant 29 : i32
      %parallel_loop3A_124 = arith.index_cast %parallel_loop3A_123 : i32 to index
      %parallel_loop3A_125 = arith.index_cast %parallel_loop3A_102 : i32 to index
      %parallel_loop3A_126 = tpu.vector_load %arg5[%parallel_loop3A_124, %parallel_loop3A_125] {strides = array<i32>} : memref<33x512xf32, #tpu.memory_space<vmem>>, vector<16xf32>,
      %parallel_loop3A_127 = vector.broadcast %squeeze3A_44 : f32 to vector<16xf32>
      %parallel_loop3A_128 = arith.mulf %parallel_loop3A_126, %parallel_loop3A_127 : vector<16xf32>
      %parallel_loop3A_129 = arith.addf %parallel_loop3A_122, %parallel_loop3A_128 : vector<16xf32>
      %parallel_loop3A_130 = arith.constant 30 : i32
      %parallel_loop3A_131 = arith.index_cast %parallel_loop3A_130 : i32 to index
      %parallel_loop3A_132 = arith.index_cast %parallel_loop3A_102 : i32 to index
      %parallel_loop3A_133 = tpu.vector_load %arg5[%parallel_loop3A_131, %parallel_loop3A_132] {strides = array<i32>} : memref<33x512xf32, #tpu.memory_space<vmem>>, vector<16xf32>,
      %parallel_loop3A_134 = vector.broadcast %squeeze3A_46 : f32 to vector<16xf32>
      %parallel_loop3A_135 = arith.mulf %parallel_loop3A_133, %parallel_loop3A_134 : vector<16xf32>
      %parallel_loop3A_136 = arith.addf %parallel_loop3A_129, %parallel_loop3A_135 : vector<16xf32>
      %parallel_loop3A_137 = arith.constant 31 : i32
      %parallel_loop3A_138 = arith.index_cast %parallel_loop3A_137 : i32 to index
      %parallel_loop3A_139 = arith.index_cast %parallel_loop3A_102 : i32 to index
      %parallel_loop3A_140 = tpu.vector_load %arg5[%parallel_loop3A_138, %parallel_loop3A_139] {strides = array<i32>} : memref<33x512xf32, #tpu.memory_space<vmem>>, vector<16xf32>,
      %parallel_loop3A_141 = vector.broadcast %squeeze3A_48 : f32 to vector<16xf32>
      %parallel_loop3A_142 = arith.mulf %parallel_loop3A_140, %parallel_loop3A_141 : vector<16xf32>
      %parallel_loop3A_143 = arith.addf %parallel_loop3A_136, %parallel_loop3A_142 : vector<16xf32>
      %parallel_loop3A_144 = arith.constant 32 : i32
      %parallel_loop3A_145 = arith.index_cast %parallel_loop3A_144 : i32 to index
      %parallel_loop3A_146 = arith.index_cast %parallel_loop3A_102 : i32 to index
      %parallel_loop3A_147 = tpu.vector_load %arg5[%parallel_loop3A_145, %parallel_loop3A_146] {strides = array<i32>} : memref<33x512xf32, #tpu.memory_space<vmem>>, vector<16xf32>,
      %parallel_loop3A_148 = vector.broadcast %squeeze3A_50 : f32 to vector<16xf32>
      %parallel_loop3A_149 = arith.mulf %parallel_loop3A_147, %parallel_loop3A_148 : vector<16xf32>
      %parallel_loop3A_150 = arith.addf %parallel_loop3A_143, %parallel_loop3A_149 : vector<16xf32>
      %parallel_loop3A_151 = arith.index_cast %parallel_loop3A_102 : i32 to index
      %parallel_loop3A_152 = tpu.vector_load %arg7[%parallel_loop3A_151] {strides = array<i32>} : memref<512xf32, #tpu.memory_space<vmem>>, vector<16xf32>,
      tpu.vector_store %arg7[%parallel_loop3A_151], %parallel_loop3A_150 {strides = array<i32>} : memref<512xf32, #tpu.memory_space<vmem>>, vector<16xf32>,
    } {sc.loop_unroll_factor = 1 : i64, sc.parallel_access}
    %dma_wait3A_56 = arith.constant 0 : i32
    %dma_wait3A_57 = tpu.memref_slice %arg6[%dma_wait3A_56] : memref<26016xf32, #tpu.memory_space<vmem>> -> memref<3000xf32, #tpu.memory_space<vmem>>
    %dma_wait3A_58 = arith.constant 0 : i32
    %dma_wait3A_59 = tpu.memref_slice %arg3[%dma_wait3A_58] : memref<26008xf32, #tpu.memory_space<hbm>> -> memref<3000xf32, #tpu.memory_space<hbm>>
    %dma_wait3A_60 = arith.constant 0 : i32
    %dma_wait3A_61 = tpu.memref_slice %arg6[%dma_wait3A_60] : memref<26016xf32, #tpu.memory_space<vmem>> -> memref<3000xf32, #tpu.memory_space<vmem>>
    %dma_wait3A_62 = arith.constant 0 : i32
    %dma_wait3A_63 = tpu.memref_slice %arg3[%dma_wait3A_62] : memref<26008xf32, #tpu.memory_space<hbm>> -> memref<3000xf32, #tpu.memory_space<hbm>>
    tpu.wait_dma2 semaphore(%arg9 : memref<!tpu.dma_semaphore, #tpu.memory_space<semaphore_mem>>) src(%dma_wait3A_63 : memref<3000xf32, #tpu.memory_space<hbm>>) dst(%dma_wait3A_61 : memref<3000xf32, #tpu.memory_space<vmem>>)
    %parallel_loop3A_64 = arith.constant 0 : i32
    %parallel_loop3A_65 = arith.constant 32 : i32
    %parallel_loop3A_66 = arith.constant 1 : i32
    scf.for %parallel_loop3A_100 = %parallel_loop3A_64 to %parallel_loop3A_65 step %parallel_loop3A_66  : i32 {
      %parallel_loop3A_101 = arith.constant 16 : i32
      %parallel_loop3A_102 = arith.muli %parallel_loop3A_100, %parallel_loop3A_101 : i32
      %parallel_loop3A_103 = arith.index_cast %parallel_loop3A_102 : i32 to index
      %parallel_loop3A_104 = tpu.vector_load %arg7[%parallel_loop3A_103] {strides = array<i32>} : memref<512xf32, #tpu.memory_space<vmem>>, vector<16xf32>,
      %parallel_loop3A_105 = arith.constant 0 : i32
      %parallel_loop3A_106 = arith.index_cast %parallel_loop3A_105 : i32 to index
      %parallel_loop3A_107 = arith.index_cast %parallel_loop3A_102 : i32 to index
      %parallel_loop3A_108 = tpu.vector_load %arg5[%parallel_loop3A_106, %parallel_loop3A_107] {strides = array<i32>} : memref<33x512xf32, #tpu.memory_space<vmem>>, vector<16xf32>,
      %parallel_loop3A_109 = arith.fptosi %parallel_loop3A_108 : vector<16xf32> to vector<16xi32>
      %parallel_loop3A_110 = arith.constant 0 : i32
      %parallel_loop3A_111 = vector.broadcast %parallel_loop3A_110 : i32 to vector<16xi32>
      %parallel_loop3A_112 = arith.addi %parallel_loop3A_109, %parallel_loop3A_111 : vector<16xi32>
      %parallel_loop3A_113 = tpu.vector_load_idx %arg6[%parallel_loop3A_112] : memref<26016xf32, #tpu.memory_space<vmem>>[vector<16xi32>], vector<16xf32>,
      %parallel_loop3A_114 = arith.addf %parallel_loop3A_104, %parallel_loop3A_113 : vector<16xf32>
      %parallel_loop3A_115 = arith.constant 1 : i32
      %parallel_loop3A_116 = arith.index_cast %parallel_loop3A_115 : i32 to index
      %parallel_loop3A_117 = arith.index_cast %parallel_loop3A_102 : i32 to index
      %parallel_loop3A_118 = tpu.vector_load %arg5[%parallel_loop3A_116, %parallel_loop3A_117] {strides = array<i32>} : memref<33x512xf32, #tpu.memory_space<vmem>>, vector<16xf32>,
      %parallel_loop3A_119 = arith.fptosi %parallel_loop3A_118 : vector<16xf32> to vector<16xi32>
      %parallel_loop3A_120 = arith.constant 1000 : i32
      %parallel_loop3A_121 = vector.broadcast %parallel_loop3A_120 : i32 to vector<16xi32>
      %parallel_loop3A_122 = arith.addi %parallel_loop3A_119, %parallel_loop3A_121 : vector<16xi32>
      %parallel_loop3A_123 = tpu.vector_load_idx %arg6[%parallel_loop3A_122] : memref<26016xf32, #tpu.memory_space<vmem>>[vector<16xi32>], vector<16xf32>,
      %parallel_loop3A_124 = arith.addf %parallel_loop3A_114, %parallel_loop3A_123 : vector<16xf32>
      %parallel_loop3A_125 = arith.constant 2 : i32
      %parallel_loop3A_126 = arith.index_cast %parallel_loop3A_125 : i32 to index
      %parallel_loop3A_127 = arith.index_cast %parallel_loop3A_102 : i32 to index
      %parallel_loop3A_128 = tpu.vector_load %arg5[%parallel_loop3A_126, %parallel_loop3A_127] {strides = array<i32>} : memref<33x512xf32, #tpu.memory_space<vmem>>, vector<16xf32>,
      %parallel_loop3A_129 = arith.fptosi %parallel_loop3A_128 : vector<16xf32> to vector<16xi32>
      %parallel_loop3A_130 = arith.constant 2000 : i32
      %parallel_loop3A_131 = vector.broadcast %parallel_loop3A_130 : i32 to vector<16xi32>
      %parallel_loop3A_132 = arith.addi %parallel_loop3A_129, %parallel_loop3A_131 : vector<16xi32>
      %parallel_loop3A_133 = tpu.vector_load_idx %arg6[%parallel_loop3A_132] : memref<26016xf32, #tpu.memory_space<vmem>>[vector<16xi32>], vector<16xf32>,
      %parallel_loop3A_134 = arith.addf %parallel_loop3A_124, %parallel_loop3A_133 : vector<16xf32>
      %parallel_loop3A_135 = arith.index_cast %parallel_loop3A_102 : i32 to index
      %parallel_loop3A_136 = tpu.vector_load %arg7[%parallel_loop3A_135] {strides = array<i32>} : memref<512xf32, #tpu.memory_space<vmem>>, vector<16xf32>,
      tpu.vector_store %arg7[%parallel_loop3A_135], %parallel_loop3A_134 {strides = array<i32>} : memref<512xf32, #tpu.memory_space<vmem>>, vector<16xf32>,
    } {sc.loop_unroll_factor = 1 : i64, sc.parallel_access}
    %dma_wait3A_67 = arith.constant 3000 : i32
    %dma_wait3A_68 = tpu.memref_slice %arg6[%dma_wait3A_67] : memref<26016xf32, #tpu.memory_space<vmem>> -> memref<6000xf32, #tpu.memory_space<vmem>>
    %dma_wait3A_69 = arith.constant 3000 : i32
    %dma_wait3A_70 = tpu.memref_slice %arg3[%dma_wait3A_69] : memref<26008xf32, #tpu.memory_space<hbm>> -> memref<6000xf32, #tpu.memory_space<hbm>>
    %dma_wait3A_71 = arith.constant 3000 : i32
    %dma_wait3A_72 = tpu.memref_slice %arg6[%dma_wait3A_71] : memref<26016xf32, #tpu.memory_space<vmem>> -> memref<6000xf32, #tpu.memory_space<vmem>>
    %dma_wait3A_73 = arith.constant 3000 : i32
    %dma_wait3A_74 = tpu.memref_slice %arg3[%dma_wait3A_73] : memref<26008xf32, #tpu.memory_space<hbm>> -> memref<6000xf32, #tpu.memory_space<hbm>>
    tpu.wait_dma2 semaphore(%arg10 : memref<!tpu.dma_semaphore, #tpu.memory_space<semaphore_mem>>) src(%dma_wait3A_74 : memref<6000xf32, #tpu.memory_space<hbm>>) dst(%dma_wait3A_72 : memref<6000xf32, #tpu.memory_space<vmem>>)
    %parallel_loop3A_75 = arith.constant 0 : i32
    %parallel_loop3A_76 = arith.constant 32 : i32
    %parallel_loop3A_77 = arith.constant 1 : i32
    scf.for %parallel_loop3A_100 = %parallel_loop3A_75 to %parallel_loop3A_76 step %parallel_loop3A_77  : i32 {
      %parallel_loop3A_101 = arith.constant 16 : i32
      %parallel_loop3A_102 = arith.muli %parallel_loop3A_100, %parallel_loop3A_101 : i32
      %parallel_loop3A_103 = arith.index_cast %parallel_loop3A_102 : i32 to index
      %parallel_loop3A_104 = tpu.vector_load %arg7[%parallel_loop3A_103] {strides = array<i32>} : memref<512xf32, #tpu.memory_space<vmem>>, vector<16xf32>,
      %parallel_loop3A_105 = arith.constant 3 : i32
      %parallel_loop3A_106 = arith.index_cast %parallel_loop3A_105 : i32 to index
      %parallel_loop3A_107 = arith.index_cast %parallel_loop3A_102 : i32 to index
      %parallel_loop3A_108 = tpu.vector_load %arg5[%parallel_loop3A_106, %parallel_loop3A_107] {strides = array<i32>} : memref<33x512xf32, #tpu.memory_space<vmem>>, vector<16xf32>,
      %parallel_loop3A_109 = arith.fptosi %parallel_loop3A_108 : vector<16xf32> to vector<16xi32>
      %parallel_loop3A_110 = arith.constant 3000 : i32
      %parallel_loop3A_111 = vector.broadcast %parallel_loop3A_110 : i32 to vector<16xi32>
      %parallel_loop3A_112 = arith.addi %parallel_loop3A_109, %parallel_loop3A_111 : vector<16xi32>
      %parallel_loop3A_113 = tpu.vector_load_idx %arg6[%parallel_loop3A_112] : memref<26016xf32, #tpu.memory_space<vmem>>[vector<16xi32>], vector<16xf32>,
      %parallel_loop3A_114 = arith.addf %parallel_loop3A_104, %parallel_loop3A_113 : vector<16xf32>
      %parallel_loop3A_115 = arith.constant 4 : i32
      %parallel_loop3A_116 = arith.index_cast %parallel_loop3A_115 : i32 to index
      %parallel_loop3A_117 = arith.index_cast %parallel_loop3A_102 : i32 to index
      %parallel_loop3A_118 = tpu.vector_load %arg5[%parallel_loop3A_116, %parallel_loop3A_117] {strides = array<i32>} : memref<33x512xf32, #tpu.memory_space<vmem>>, vector<16xf32>,
      %parallel_loop3A_119 = arith.fptosi %parallel_loop3A_118 : vector<16xf32> to vector<16xi32>
      %parallel_loop3A_120 = arith.constant 4000 : i32
      %parallel_loop3A_121 = vector.broadcast %parallel_loop3A_120 : i32 to vector<16xi32>
      %parallel_loop3A_122 = arith.addi %parallel_loop3A_119, %parallel_loop3A_121 : vector<16xi32>
      %parallel_loop3A_123 = tpu.vector_load_idx %arg6[%parallel_loop3A_122] : memref<26016xf32, #tpu.memory_space<vmem>>[vector<16xi32>], vector<16xf32>,
      %parallel_loop3A_124 = arith.addf %parallel_loop3A_114, %parallel_loop3A_123 : vector<16xf32>
      %parallel_loop3A_125 = arith.constant 5 : i32
      %parallel_loop3A_126 = arith.index_cast %parallel_loop3A_125 : i32 to index
      %parallel_loop3A_127 = arith.index_cast %parallel_loop3A_102 : i32 to index
      %parallel_loop3A_128 = tpu.vector_load %arg5[%parallel_loop3A_126, %parallel_loop3A_127] {strides = array<i32>} : memref<33x512xf32, #tpu.memory_space<vmem>>, vector<16xf32>,
      %parallel_loop3A_129 = arith.fptosi %parallel_loop3A_128 : vector<16xf32> to vector<16xi32>
      %parallel_loop3A_130 = arith.constant 5000 : i32
      %parallel_loop3A_131 = vector.broadcast %parallel_loop3A_130 : i32 to vector<16xi32>
      %parallel_loop3A_132 = arith.addi %parallel_loop3A_129, %parallel_loop3A_131 : vector<16xi32>
      %parallel_loop3A_133 = tpu.vector_load_idx %arg6[%parallel_loop3A_132] : memref<26016xf32, #tpu.memory_space<vmem>>[vector<16xi32>], vector<16xf32>,
      %parallel_loop3A_134 = arith.addf %parallel_loop3A_124, %parallel_loop3A_133 : vector<16xf32>
      %parallel_loop3A_135 = arith.constant 6 : i32
      %parallel_loop3A_136 = arith.index_cast %parallel_loop3A_135 : i32 to index
      %parallel_loop3A_137 = arith.index_cast %parallel_loop3A_102 : i32 to index
      %parallel_loop3A_138 = tpu.vector_load %arg5[%parallel_loop3A_136, %parallel_loop3A_137] {strides = array<i32>} : memref<33x512xf32, #tpu.memory_space<vmem>>, vector<16xf32>,
      %parallel_loop3A_139 = arith.fptosi %parallel_loop3A_138 : vector<16xf32> to vector<16xi32>
      %parallel_loop3A_140 = arith.constant 6000 : i32
      %parallel_loop3A_141 = vector.broadcast %parallel_loop3A_140 : i32 to vector<16xi32>
      %parallel_loop3A_142 = arith.addi %parallel_loop3A_139, %parallel_loop3A_141 : vector<16xi32>
      %parallel_loop3A_143 = tpu.vector_load_idx %arg6[%parallel_loop3A_142] : memref<26016xf32, #tpu.memory_space<vmem>>[vector<16xi32>], vector<16xf32>,
      %parallel_loop3A_144 = arith.addf %parallel_loop3A_134, %parallel_loop3A_143 : vector<16xf32>
      %parallel_loop3A_145 = arith.constant 7 : i32
      %parallel_loop3A_146 = arith.index_cast %parallel_loop3A_145 : i32 to index
      %parallel_loop3A_147 = arith.index_cast %parallel_loop3A_102 : i32 to index
      %parallel_loop3A_148 = tpu.vector_load %arg5[%parallel_loop3A_146, %parallel_loop3A_147] {strides = array<i32>} : memref<33x512xf32, #tpu.memory_space<vmem>>, vector<16xf32>,
      %parallel_loop3A_149 = arith.fptosi %parallel_loop3A_148 : vector<16xf32> to vector<16xi32>
      %parallel_loop3A_150 = arith.constant 7000 : i32
      %parallel_loop3A_151 = vector.broadcast %parallel_loop3A_150 : i32 to vector<16xi32>
      %parallel_loop3A_152 = arith.addi %parallel_loop3A_149, %parallel_loop3A_151 : vector<16xi32>
      %parallel_loop3A_153 = tpu.vector_load_idx %arg6[%parallel_loop3A_152] : memref<26016xf32, #tpu.memory_space<vmem>>[vector<16xi32>], vector<16xf32>,
      %parallel_loop3A_154 = arith.addf %parallel_loop3A_144, %parallel_loop3A_153 : vector<16xf32>
      %parallel_loop3A_155 = arith.constant 8 : i32
      %parallel_loop3A_156 = arith.index_cast %parallel_loop3A_155 : i32 to index
      %parallel_loop3A_157 = arith.index_cast %parallel_loop3A_102 : i32 to index
      %parallel_loop3A_158 = tpu.vector_load %arg5[%parallel_loop3A_156, %parallel_loop3A_157] {strides = array<i32>} : memref<33x512xf32, #tpu.memory_space<vmem>>, vector<16xf32>,
      %parallel_loop3A_159 = arith.fptosi %parallel_loop3A_158 : vector<16xf32> to vector<16xi32>
      %parallel_loop3A_160 = arith.constant 8000 : i32
      %parallel_loop3A_161 = vector.broadcast %parallel_loop3A_160 : i32 to vector<16xi32>
      %parallel_loop3A_162 = arith.addi %parallel_loop3A_159, %parallel_loop3A_161 : vector<16xi32>
      %parallel_loop3A_163 = tpu.vector_load_idx %arg6[%parallel_loop3A_162] : memref<26016xf32, #tpu.memory_space<vmem>>[vector<16xi32>], vector<16xf32>,
      %parallel_loop3A_164 = arith.addf %parallel_loop3A_154, %parallel_loop3A_163 : vector<16xf32>
      %parallel_loop3A_165 = arith.index_cast %parallel_loop3A_102 : i32 to index
      %parallel_loop3A_166 = tpu.vector_load %arg7[%parallel_loop3A_165] {strides = array<i32>} : memref<512xf32, #tpu.memory_space<vmem>>, vector<16xf32>,
      tpu.vector_store %arg7[%parallel_loop3A_165], %parallel_loop3A_164 {strides = array<i32>} : memref<512xf32, #tpu.memory_space<vmem>>, vector<16xf32>,
    } {sc.loop_unroll_factor = 1 : i64, sc.parallel_access}
    %dma_wait3A_78 = arith.constant 9000 : i32
    %dma_wait3A_79 = tpu.memref_slice %arg6[%dma_wait3A_78] : memref<26016xf32, #tpu.memory_space<vmem>> -> memref<8000xf32, #tpu.memory_space<vmem>>
    %dma_wait3A_80 = arith.constant 9000 : i32
    %dma_wait3A_81 = tpu.memref_slice %arg3[%dma_wait3A_80] : memref<26008xf32, #tpu.memory_space<hbm>> -> memref<8000xf32, #tpu.memory_space<hbm>>
    %dma_wait3A_82 = arith.constant 9000 : i32
    %dma_wait3A_83 = tpu.memref_slice %arg6[%dma_wait3A_82] : memref<26016xf32, #tpu.memory_space<vmem>> -> memref<8000xf32, #tpu.memory_space<vmem>>
    %dma_wait3A_84 = arith.constant 9000 : i32
    %dma_wait3A_85 = tpu.memref_slice %arg3[%dma_wait3A_84] : memref<26008xf32, #tpu.memory_space<hbm>> -> memref<8000xf32, #tpu.memory_space<hbm>>
    tpu.wait_dma2 semaphore(%arg11 : memref<!tpu.dma_semaphore, #tpu.memory_space<semaphore_mem>>) src(%dma_wait3A_85 : memref<8000xf32, #tpu.memory_space<hbm>>) dst(%dma_wait3A_83 : memref<8000xf32, #tpu.memory_space<vmem>>)
    %parallel_loop3A_86 = arith.constant 0 : i32
    %parallel_loop3A_87 = arith.constant 32 : i32
    %parallel_loop3A_88 = arith.constant 1 : i32
    scf.for %parallel_loop3A_100 = %parallel_loop3A_86 to %parallel_loop3A_87 step %parallel_loop3A_88  : i32 {
      %parallel_loop3A_101 = arith.constant 16 : i32
      %parallel_loop3A_102 = arith.muli %parallel_loop3A_100, %parallel_loop3A_101 : i32
      %parallel_loop3A_103 = arith.index_cast %parallel_loop3A_102 : i32 to index
      %parallel_loop3A_104 = tpu.vector_load %arg7[%parallel_loop3A_103] {strides = array<i32>} : memref<512xf32, #tpu.memory_space<vmem>>, vector<16xf32>,
      %parallel_loop3A_105 = arith.constant 9 : i32
      %parallel_loop3A_106 = arith.index_cast %parallel_loop3A_105 : i32 to index
      %parallel_loop3A_107 = arith.index_cast %parallel_loop3A_102 : i32 to index
      %parallel_loop3A_108 = tpu.vector_load %arg5[%parallel_loop3A_106, %parallel_loop3A_107] {strides = array<i32>} : memref<33x512xf32, #tpu.memory_space<vmem>>, vector<16xf32>,
      %parallel_loop3A_109 = arith.fptosi %parallel_loop3A_108 : vector<16xf32> to vector<16xi32>
      %parallel_loop3A_110 = arith.constant 9000 : i32
      %parallel_loop3A_111 = vector.broadcast %parallel_loop3A_110 : i32 to vector<16xi32>
      %parallel_loop3A_112 = arith.addi %parallel_loop3A_109, %parallel_loop3A_111 : vector<16xi32>
      %parallel_loop3A_113 = tpu.vector_load_idx %arg6[%parallel_loop3A_112] : memref<26016xf32, #tpu.memory_space<vmem>>[vector<16xi32>], vector<16xf32>,
      %parallel_loop3A_114 = arith.addf %parallel_loop3A_104, %parallel_loop3A_113 : vector<16xf32>
      %parallel_loop3A_115 = arith.constant 10 : i32
      %parallel_loop3A_116 = arith.index_cast %parallel_loop3A_115 : i32 to index
      %parallel_loop3A_117 = arith.index_cast %parallel_loop3A_102 : i32 to index
      %parallel_loop3A_118 = tpu.vector_load %arg5[%parallel_loop3A_116, %parallel_loop3A_117] {strides = array<i32>} : memref<33x512xf32, #tpu.memory_space<vmem>>, vector<16xf32>,
      %parallel_loop3A_119 = arith.fptosi %parallel_loop3A_118 : vector<16xf32> to vector<16xi32>
      %parallel_loop3A_120 = arith.constant 10000 : i32
      %parallel_loop3A_121 = vector.broadcast %parallel_loop3A_120 : i32 to vector<16xi32>
      %parallel_loop3A_122 = arith.addi %parallel_loop3A_119, %parallel_loop3A_121 : vector<16xi32>
      %parallel_loop3A_123 = tpu.vector_load_idx %arg6[%parallel_loop3A_122] : memref<26016xf32, #tpu.memory_space<vmem>>[vector<16xi32>], vector<16xf32>,
      %parallel_loop3A_124 = arith.addf %parallel_loop3A_114, %parallel_loop3A_123 : vector<16xf32>
      %parallel_loop3A_125 = arith.constant 11 : i32
      %parallel_loop3A_126 = arith.index_cast %parallel_loop3A_125 : i32 to index
      %parallel_loop3A_127 = arith.index_cast %parallel_loop3A_102 : i32 to index
      %parallel_loop3A_128 = tpu.vector_load %arg5[%parallel_loop3A_126, %parallel_loop3A_127] {strides = array<i32>} : memref<33x512xf32, #tpu.memory_space<vmem>>, vector<16xf32>,
      %parallel_loop3A_129 = arith.fptosi %parallel_loop3A_128 : vector<16xf32> to vector<16xi32>
      %parallel_loop3A_130 = arith.constant 11000 : i32
      %parallel_loop3A_131 = vector.broadcast %parallel_loop3A_130 : i32 to vector<16xi32>
      %parallel_loop3A_132 = arith.addi %parallel_loop3A_129, %parallel_loop3A_131 : vector<16xi32>
      %parallel_loop3A_133 = tpu.vector_load_idx %arg6[%parallel_loop3A_132] : memref<26016xf32, #tpu.memory_space<vmem>>[vector<16xi32>], vector<16xf32>,
      %parallel_loop3A_134 = arith.addf %parallel_loop3A_124, %parallel_loop3A_133 : vector<16xf32>
      %parallel_loop3A_135 = arith.constant 12 : i32
      %parallel_loop3A_136 = arith.index_cast %parallel_loop3A_135 : i32 to index
      %parallel_loop3A_137 = arith.index_cast %parallel_loop3A_102 : i32 to index
      %parallel_loop3A_138 = tpu.vector_load %arg5[%parallel_loop3A_136, %parallel_loop3A_137] {strides = array<i32>} : memref<33x512xf32, #tpu.memory_space<vmem>>, vector<16xf32>,
      %parallel_loop3A_139 = arith.fptosi %parallel_loop3A_138 : vector<16xf32> to vector<16xi32>
      %parallel_loop3A_140 = arith.constant 12000 : i32
      %parallel_loop3A_141 = vector.broadcast %parallel_loop3A_140 : i32 to vector<16xi32>
      %parallel_loop3A_142 = arith.addi %parallel_loop3A_139, %parallel_loop3A_141 : vector<16xi32>
      %parallel_loop3A_143 = tpu.vector_load_idx %arg6[%parallel_loop3A_142] : memref<26016xf32, #tpu.memory_space<vmem>>[vector<16xi32>], vector<16xf32>,
      %parallel_loop3A_144 = arith.addf %parallel_loop3A_134, %parallel_loop3A_143 : vector<16xf32>
      %parallel_loop3A_145 = arith.constant 13 : i32
      %parallel_loop3A_146 = arith.index_cast %parallel_loop3A_145 : i32 to index
      %parallel_loop3A_147 = arith.index_cast %parallel_loop3A_102 : i32 to index
      %parallel_loop3A_148 = tpu.vector_load %arg5[%parallel_loop3A_146, %parallel_loop3A_147] {strides = array<i32>} : memref<33x512xf32, #tpu.memory_space<vmem>>, vector<16xf32>,
      %parallel_loop3A_149 = arith.fptosi %parallel_loop3A_148 : vector<16xf32> to vector<16xi32>
      %parallel_loop3A_150 = arith.constant 13000 : i32
      %parallel_loop3A_151 = vector.broadcast %parallel_loop3A_150 : i32 to vector<16xi32>
      %parallel_loop3A_152 = arith.addi %parallel_loop3A_149, %parallel_loop3A_151 : vector<16xi32>
      %parallel_loop3A_153 = tpu.vector_load_idx %arg6[%parallel_loop3A_152] : memref<26016xf32, #tpu.memory_space<vmem>>[vector<16xi32>], vector<16xf32>,
      %parallel_loop3A_154 = arith.addf %parallel_loop3A_144, %parallel_loop3A_153 : vector<16xf32>
      %parallel_loop3A_155 = arith.constant 14 : i32
      %parallel_loop3A_156 = arith.index_cast %parallel_loop3A_155 : i32 to index
      %parallel_loop3A_157 = arith.index_cast %parallel_loop3A_102 : i32 to index
      %parallel_loop3A_158 = tpu.vector_load %arg5[%parallel_loop3A_156, %parallel_loop3A_157] {strides = array<i32>} : memref<33x512xf32, #tpu.memory_space<vmem>>, vector<16xf32>,
      %parallel_loop3A_159 = arith.fptosi %parallel_loop3A_158 : vector<16xf32> to vector<16xi32>
      %parallel_loop3A_160 = arith.constant 14000 : i32
      %parallel_loop3A_161 = vector.broadcast %parallel_loop3A_160 : i32 to vector<16xi32>
      %parallel_loop3A_162 = arith.addi %parallel_loop3A_159, %parallel_loop3A_161 : vector<16xi32>
      %parallel_loop3A_163 = tpu.vector_load_idx %arg6[%parallel_loop3A_162] : memref<26016xf32, #tpu.memory_space<vmem>>[vector<16xi32>], vector<16xf32>,
      %parallel_loop3A_164 = arith.addf %parallel_loop3A_154, %parallel_loop3A_163 : vector<16xf32>
      %parallel_loop3A_165 = arith.constant 15 : i32
      %parallel_loop3A_166 = arith.index_cast %parallel_loop3A_165 : i32 to index
      %parallel_loop3A_167 = arith.index_cast %parallel_loop3A_102 : i32 to index
      %parallel_loop3A_168 = tpu.vector_load %arg5[%parallel_loop3A_166, %parallel_loop3A_167] {strides = array<i32>} : memref<33x512xf32, #tpu.memory_space<vmem>>, vector<16xf32>,
      %parallel_loop3A_169 = arith.fptosi %parallel_loop3A_168 : vector<16xf32> to vector<16xi32>
      %parallel_loop3A_170 = arith.constant 15000 : i32
      %parallel_loop3A_171 = vector.broadcast %parallel_loop3A_170 : i32 to vector<16xi32>
      %parallel_loop3A_172 = arith.addi %parallel_loop3A_169, %parallel_loop3A_171 : vector<16xi32>
      %parallel_loop3A_173 = tpu.vector_load_idx %arg6[%parallel_loop3A_172] : memref<26016xf32, #tpu.memory_space<vmem>>[vector<16xi32>], vector<16xf32>,
      %parallel_loop3A_174 = arith.addf %parallel_loop3A_164, %parallel_loop3A_173 : vector<16xf32>
      %parallel_loop3A_175 = arith.constant 16 : i32
      %parallel_loop3A_176 = arith.index_cast %parallel_loop3A_175 : i32 to index
      %parallel_loop3A_177 = arith.index_cast %parallel_loop3A_102 : i32 to index
      %parallel_loop3A_178 = tpu.vector_load %arg5[%parallel_loop3A_176, %parallel_loop3A_177] {strides = array<i32>} : memref<33x512xf32, #tpu.memory_space<vmem>>, vector<16xf32>,
      %parallel_loop3A_179 = arith.fptosi %parallel_loop3A_178 : vector<16xf32> to vector<16xi32>
      %parallel_loop3A_180 = arith.constant 16000 : i32
      %parallel_loop3A_181 = vector.broadcast %parallel_loop3A_180 : i32 to vector<16xi32>
      %parallel_loop3A_182 = arith.addi %parallel_loop3A_179, %parallel_loop3A_181 : vector<16xi32>
      %parallel_loop3A_183 = tpu.vector_load_idx %arg6[%parallel_loop3A_182] : memref<26016xf32, #tpu.memory_space<vmem>>[vector<16xi32>], vector<16xf32>,
      %parallel_loop3A_184 = arith.addf %parallel_loop3A_174, %parallel_loop3A_183 : vector<16xf32>
      %parallel_loop3A_185 = arith.index_cast %parallel_loop3A_102 : i32 to index
      %parallel_loop3A_186 = tpu.vector_load %arg7[%parallel_loop3A_185] {strides = array<i32>} : memref<512xf32, #tpu.memory_space<vmem>>, vector<16xf32>,
      tpu.vector_store %arg7[%parallel_loop3A_185], %parallel_loop3A_184 {strides = array<i32>} : memref<512xf32, #tpu.memory_space<vmem>>, vector<16xf32>,
    } {sc.loop_unroll_factor = 1 : i64, sc.parallel_access}
    %dma_wait3A_89 = arith.constant 17000 : i32
    %dma_wait3A_90 = tpu.memref_slice %arg6[%dma_wait3A_89] : memref<26016xf32, #tpu.memory_space<vmem>> -> memref<9000xf32, #tpu.memory_space<vmem>>
    %dma_wait3A_91 = arith.constant 17000 : i32
    %dma_wait3A_92 = tpu.memref_slice %arg3[%dma_wait3A_91] : memref<26008xf32, #tpu.memory_space<hbm>> -> memref<9000xf32, #tpu.memory_space<hbm>>
    %dma_wait3A_93 = arith.constant 17000 : i32
    %dma_wait3A_94 = tpu.memref_slice %arg6[%dma_wait3A_93] : memref<26016xf32, #tpu.memory_space<vmem>> -> memref<9000xf32, #tpu.memory_space<vmem>>
    %dma_wait3A_95 = arith.constant 17000 : i32
    %dma_wait3A_96 = tpu.memref_slice %arg3[%dma_wait3A_95] : memref<26008xf32, #tpu.memory_space<hbm>> -> memref<9000xf32, #tpu.memory_space<hbm>>
    tpu.wait_dma2 semaphore(%arg12 : memref<!tpu.dma_semaphore, #tpu.memory_space<semaphore_mem>>) src(%dma_wait3A_96 : memref<9000xf32, #tpu.memory_space<hbm>>) dst(%dma_wait3A_94 : memref<9000xf32, #tpu.memory_space<vmem>>)
    %parallel_loop3A_97 = arith.constant 0 : i32
    %parallel_loop3A_98 = arith.constant 32 : i32
    %parallel_loop3A_99 = arith.constant 1 : i32
    scf.for %parallel_loop3A_100 = %parallel_loop3A_97 to %parallel_loop3A_98 step %parallel_loop3A_99  : i32 {
      %parallel_loop3A_101 = arith.constant 16 : i32
      %parallel_loop3A_102 = arith.muli %parallel_loop3A_100, %parallel_loop3A_101 : i32
      %parallel_loop3A_103 = arith.index_cast %parallel_loop3A_102 : i32 to index
      %parallel_loop3A_104 = tpu.vector_load %arg7[%parallel_loop3A_103] {strides = array<i32>} : memref<512xf32, #tpu.memory_space<vmem>>, vector<16xf32>,
      %parallel_loop3A_105 = arith.constant 17 : i32
      %parallel_loop3A_106 = arith.index_cast %parallel_loop3A_105 : i32 to index
      %parallel_loop3A_107 = arith.index_cast %parallel_loop3A_102 : i32 to index
      %parallel_loop3A_108 = tpu.vector_load %arg5[%parallel_loop3A_106, %parallel_loop3A_107] {strides = array<i32>} : memref<33x512xf32, #tpu.memory_space<vmem>>, vector<16xf32>,
      %parallel_loop3A_109 = arith.fptosi %parallel_loop3A_108 : vector<16xf32> to vector<16xi32>
      %parallel_loop3A_110 = arith.constant 17000 : i32
      %parallel_loop3A_111 = vector.broadcast %parallel_loop3A_110 : i32 to vector<16xi32>
      %parallel_loop3A_112 = arith.addi %parallel_loop3A_109, %parallel_loop3A_111 : vector<16xi32>
      %parallel_loop3A_113 = tpu.vector_load_idx %arg6[%parallel_loop3A_112] : memref<26016xf32, #tpu.memory_space<vmem>>[vector<16xi32>], vector<16xf32>,
      %parallel_loop3A_114 = arith.addf %parallel_loop3A_104, %parallel_loop3A_113 : vector<16xf32>
      %parallel_loop3A_115 = arith.constant 18 : i32
      %parallel_loop3A_116 = arith.index_cast %parallel_loop3A_115 : i32 to index
      %parallel_loop3A_117 = arith.index_cast %parallel_loop3A_102 : i32 to index
      %parallel_loop3A_118 = tpu.vector_load %arg5[%parallel_loop3A_116, %parallel_loop3A_117] {strides = array<i32>} : memref<33x512xf32, #tpu.memory_space<vmem>>, vector<16xf32>,
      %parallel_loop3A_119 = arith.fptosi %parallel_loop3A_118 : vector<16xf32> to vector<16xi32>
      %parallel_loop3A_120 = arith.constant 18000 : i32
      %parallel_loop3A_121 = vector.broadcast %parallel_loop3A_120 : i32 to vector<16xi32>
      %parallel_loop3A_122 = arith.addi %parallel_loop3A_119, %parallel_loop3A_121 : vector<16xi32>
      %parallel_loop3A_123 = tpu.vector_load_idx %arg6[%parallel_loop3A_122] : memref<26016xf32, #tpu.memory_space<vmem>>[vector<16xi32>], vector<16xf32>,
      %parallel_loop3A_124 = arith.addf %parallel_loop3A_114, %parallel_loop3A_123 : vector<16xf32>
      %parallel_loop3A_125 = arith.constant 19 : i32
      %parallel_loop3A_126 = arith.index_cast %parallel_loop3A_125 : i32 to index
      %parallel_loop3A_127 = arith.index_cast %parallel_loop3A_102 : i32 to index
      %parallel_loop3A_128 = tpu.vector_load %arg5[%parallel_loop3A_126, %parallel_loop3A_127] {strides = array<i32>} : memref<33x512xf32, #tpu.memory_space<vmem>>, vector<16xf32>,
      %parallel_loop3A_129 = arith.fptosi %parallel_loop3A_128 : vector<16xf32> to vector<16xi32>
      %parallel_loop3A_130 = arith.constant 19000 : i32
      %parallel_loop3A_131 = vector.broadcast %parallel_loop3A_130 : i32 to vector<16xi32>
      %parallel_loop3A_132 = arith.addi %parallel_loop3A_129, %parallel_loop3A_131 : vector<16xi32>
      %parallel_loop3A_133 = tpu.vector_load_idx %arg6[%parallel_loop3A_132] : memref<26016xf32, #tpu.memory_space<vmem>>[vector<16xi32>], vector<16xf32>,
      %parallel_loop3A_134 = arith.addf %parallel_loop3A_124, %parallel_loop3A_133 : vector<16xf32>
      %parallel_loop3A_135 = arith.constant 20 : i32
      %parallel_loop3A_136 = arith.index_cast %parallel_loop3A_135 : i32 to index
      %parallel_loop3A_137 = arith.index_cast %parallel_loop3A_102 : i32 to index
      %parallel_loop3A_138 = tpu.vector_load %arg5[%parallel_loop3A_136, %parallel_loop3A_137] {strides = array<i32>} : memref<33x512xf32, #tpu.memory_space<vmem>>, vector<16xf32>,
      %parallel_loop3A_139 = arith.fptosi %parallel_loop3A_138 : vector<16xf32> to vector<16xi32>
      %parallel_loop3A_140 = arith.constant 20000 : i32
      %parallel_loop3A_141 = vector.broadcast %parallel_loop3A_140 : i32 to vector<16xi32>
      %parallel_loop3A_142 = arith.addi %parallel_loop3A_139, %parallel_loop3A_141 : vector<16xi32>
      %parallel_loop3A_143 = tpu.vector_load_idx %arg6[%parallel_loop3A_142] : memref<26016xf32, #tpu.memory_space<vmem>>[vector<16xi32>], vector<16xf32>,
      %parallel_loop3A_144 = arith.addf %parallel_loop3A_134, %parallel_loop3A_143 : vector<16xf32>
      %parallel_loop3A_145 = arith.constant 21 : i32
      %parallel_loop3A_146 = arith.index_cast %parallel_loop3A_145 : i32 to index
      %parallel_loop3A_147 = arith.index_cast %parallel_loop3A_102 : i32 to index
      %parallel_loop3A_148 = tpu.vector_load %arg5[%parallel_loop3A_146, %parallel_loop3A_147] {strides = array<i32>} : memref<33x512xf32, #tpu.memory_space<vmem>>, vector<16xf32>,
      %parallel_loop3A_149 = arith.fptosi %parallel_loop3A_148 : vector<16xf32> to vector<16xi32>
      %parallel_loop3A_150 = arith.constant 21000 : i32
      %parallel_loop3A_151 = vector.broadcast %parallel_loop3A_150 : i32 to vector<16xi32>
      %parallel_loop3A_152 = arith.addi %parallel_loop3A_149, %parallel_loop3A_151 : vector<16xi32>
      %parallel_loop3A_153 = tpu.vector_load_idx %arg6[%parallel_loop3A_152] : memref<26016xf32, #tpu.memory_space<vmem>>[vector<16xi32>], vector<16xf32>,
      %parallel_loop3A_154 = arith.addf %parallel_loop3A_144, %parallel_loop3A_153 : vector<16xf32>
      %parallel_loop3A_155 = arith.constant 22 : i32
      %parallel_loop3A_156 = arith.index_cast %parallel_loop3A_155 : i32 to index
      %parallel_loop3A_157 = arith.index_cast %parallel_loop3A_102 : i32 to index
      %parallel_loop3A_158 = tpu.vector_load %arg5[%parallel_loop3A_156, %parallel_loop3A_157] {strides = array<i32>} : memref<33x512xf32, #tpu.memory_space<vmem>>, vector<16xf32>,
      %parallel_loop3A_159 = arith.fptosi %parallel_loop3A_158 : vector<16xf32> to vector<16xi32>
      %parallel_loop3A_160 = arith.constant 22000 : i32
      %parallel_loop3A_161 = vector.broadcast %parallel_loop3A_160 : i32 to vector<16xi32>
      %parallel_loop3A_162 = arith.addi %parallel_loop3A_159, %parallel_loop3A_161 : vector<16xi32>
      %parallel_loop3A_163 = tpu.vector_load_idx %arg6[%parallel_loop3A_162] : memref<26016xf32, #tpu.memory_space<vmem>>[vector<16xi32>], vector<16xf32>,
      %parallel_loop3A_164 = arith.addf %parallel_loop3A_154, %parallel_loop3A_163 : vector<16xf32>
      %parallel_loop3A_165 = arith.constant 23 : i32
      %parallel_loop3A_166 = arith.index_cast %parallel_loop3A_165 : i32 to index
      %parallel_loop3A_167 = arith.index_cast %parallel_loop3A_102 : i32 to index
      %parallel_loop3A_168 = tpu.vector_load %arg5[%parallel_loop3A_166, %parallel_loop3A_167] {strides = array<i32>} : memref<33x512xf32, #tpu.memory_space<vmem>>, vector<16xf32>,
      %parallel_loop3A_169 = arith.fptosi %parallel_loop3A_168 : vector<16xf32> to vector<16xi32>
      %parallel_loop3A_170 = arith.constant 23000 : i32
      %parallel_loop3A_171 = vector.broadcast %parallel_loop3A_170 : i32 to vector<16xi32>
      %parallel_loop3A_172 = arith.addi %parallel_loop3A_169, %parallel_loop3A_171 : vector<16xi32>
      %parallel_loop3A_173 = tpu.vector_load_idx %arg6[%parallel_loop3A_172] : memref<26016xf32, #tpu.memory_space<vmem>>[vector<16xi32>], vector<16xf32>,
      %parallel_loop3A_174 = arith.addf %parallel_loop3A_164, %parallel_loop3A_173 : vector<16xf32>
      %parallel_loop3A_175 = arith.constant 24 : i32
      %parallel_loop3A_176 = arith.index_cast %parallel_loop3A_175 : i32 to index
      %parallel_loop3A_177 = arith.index_cast %parallel_loop3A_102 : i32 to index
      %parallel_loop3A_178 = tpu.vector_load %arg5[%parallel_loop3A_176, %parallel_loop3A_177] {strides = array<i32>} : memref<33x512xf32, #tpu.memory_space<vmem>>, vector<16xf32>,
      %parallel_loop3A_179 = arith.fptosi %parallel_loop3A_178 : vector<16xf32> to vector<16xi32>
      %parallel_loop3A_180 = arith.constant 24000 : i32
      %parallel_loop3A_181 = vector.broadcast %parallel_loop3A_180 : i32 to vector<16xi32>
      %parallel_loop3A_182 = arith.addi %parallel_loop3A_179, %parallel_loop3A_181 : vector<16xi32>
      %parallel_loop3A_183 = tpu.vector_load_idx %arg6[%parallel_loop3A_182] : memref<26016xf32, #tpu.memory_space<vmem>>[vector<16xi32>], vector<16xf32>,
      %parallel_loop3A_184 = arith.addf %parallel_loop3A_174, %parallel_loop3A_183 : vector<16xf32>
      %parallel_loop3A_185 = arith.constant 25 : i32
      %parallel_loop3A_186 = arith.index_cast %parallel_loop3A_185 : i32 to index
      %parallel_loop3A_187 = arith.index_cast %parallel_loop3A_102 : i32 to index
      %parallel_loop3A_188 = tpu.vector_load %arg5[%parallel_loop3A_186, %parallel_loop3A_187] {strides = array<i32>} : memref<33x512xf32, #tpu.memory_space<vmem>>, vector<16xf32>,
      %parallel_loop3A_189 = arith.fptosi %parallel_loop3A_188 : vector<16xf32> to vector<16xi32>
      %parallel_loop3A_190 = arith.constant 25000 : i32
      %parallel_loop3A_191 = vector.broadcast %parallel_loop3A_190 : i32 to vector<16xi32>
      %parallel_loop3A_192 = arith.addi %parallel_loop3A_189, %parallel_loop3A_191 : vector<16xi32>
      %parallel_loop3A_193 = tpu.vector_load_idx %arg6[%parallel_loop3A_192] : memref<26016xf32, #tpu.memory_space<vmem>>[vector<16xi32>], vector<16xf32>,
      %parallel_loop3A_194 = arith.addf %parallel_loop3A_184, %parallel_loop3A_193 : vector<16xf32>
      %parallel_loop3A_195 = arith.index_cast %parallel_loop3A_102 : i32 to index
      %parallel_loop3A_196 = tpu.vector_load %arg7[%parallel_loop3A_195] {strides = array<i32>} : memref<512xf32, #tpu.memory_space<vmem>>, vector<16xf32>,
      tpu.vector_store %arg7[%parallel_loop3A_195], %parallel_loop3A_194 {strides = array<i32>} : memref<512xf32, #tpu.memory_space<vmem>>, vector<16xf32>,
    } {sc.loop_unroll_factor = 1 : i64, sc.parallel_access}
    "tpu.region"() ({
      %run_scoped3A = tpu.sem_alloc : memref<!tpu.dma_semaphore, #tpu.memory_space<semaphore_mem>>
      %dma_start3A_100 = tpu.memref_slice %arg4[%mul3A_2] : memref<16384xf32, #tpu.memory_space<hbm>> -> memref<512xf32, #tpu.memory_space<hbm>>
      %dma_start3A_101 = tpu.memref_slice %arg4[%mul3A_2] : memref<16384xf32, #tpu.memory_space<hbm>> -> memref<512xf32, #tpu.memory_space<hbm>>
      tpu.enqueue_dma source(%arg7 : memref<512xf32, #tpu.memory_space<vmem>>) target(%dma_start3A_101 : memref<512xf32, #tpu.memory_space<hbm>>) target_semaphore(%run_scoped3A : memref<!tpu.dma_semaphore, #tpu.memory_space<semaphore_mem>>)
      %dma_wait3A_102 = tpu.memref_slice %arg4[%mul3A_2] : memref<16384xf32, #tpu.memory_space<hbm>> -> memref<512xf32, #tpu.memory_space<hbm>>
      %dma_wait3A_103 = tpu.memref_slice %arg4[%mul3A_2] : memref<16384xf32, #tpu.memory_space<hbm>> -> memref<512xf32, #tpu.memory_space<hbm>>
      tpu.wait_dma2 semaphore(%run_scoped3A : memref<!tpu.dma_semaphore, #tpu.memory_space<semaphore_mem>>) src(%arg7 : memref<512xf32, #tpu.memory_space<vmem>>) dst(%dma_wait3A_103 : memref<512xf32, #tpu.memory_space<hbm>>)
      tpu.yield
    }) : () -> ()
    return
  }
}

</mosaic_0001>

<sc_bundles>
// kernel: kernel.3.cloned.1.call-start
scs
__scs_entry_jumppad:
0x0: {  	(pc) =	sbr.rel $0x88, $3  }
0x1: {  	(tag) =	ssettag $0x0;
	lr =	simm.s32 $0x1  }
0x2: {  	[smem:$0x3F9E] =	sst lr;
	_ =	strace $0xD0000000  }
0x3: {  	_ = 	snop  }
0x4: {  	_ = 	snop  }
0x5: {  	_ = 	snop  }
0x6: {  	_ = 	snop  }
0x7: {  	_ = 	snop  }
__scs_overlays_trampoline_lowered:
0x8: {  	[smem:$0x3FAD] =	sst s0  }
0x9: {  	[smem:$0x3FAE] =	sst s1  }
0xa: {  	[smem:$0x3FAF] =	sst s2  }
0xb: {  	[smem:$0x3FB0] =	sst s3  }
0xc: {  	[smem:$0x3FB1] =	sst s4  }
0xd: {  	[smem:$0x3FB2] =	sst s5  }
0xe: {  	[smem:$0x3FB3] =	sst s6  }
0xf: {  	[smem:$0x3FB4] =	sst s7  }
0x10: {  	[smem:$0x3FB5] =	sst s8  }
0x11: {  	[smem:$0x3FB6] =	sst s9;
	s0 =	simm.s32 @!p0 $0x0  }
0x12: {  	s1 =	sld [smem:$0x3F9C];
	s0 =	simm.s32 @p0 $0x1  }
0x13: {  	[smem:$0x3FB7] =	sst s0;
	s0 =	simm.s32 @!p1 $0x0  }
0x14: {  	s2 =	sld [smem:$0x3F9B];
	s0 =	simm.s32 @p1 $0x1  }
0x15: {  	[smem:$0x3FB8] =	sst s0;
	s0 =	simm.s32 @!p2 $0x0  }
0x16: {  	s3 =	sld [smem:$0x3FDB];
	s0 =	simm.s32 @p2 $0x1  }
0x17: {  	s4 =	simm.s32 $0x1BF5;
	[smem:$0x3FBA] =	sst s0  }
0x18: {  	s0 =	sld [smem:$0x3F9D];
	_ =	swait.ge [sflag:s4], $0x0  }
0x19: {  	s7 =	sld [smem:$0x3F9E]  }
0x1a: {  	s8 =	sadd.s32 $0xFFFFE003, lr  }
0x1b: {  	s9 =	sadd.s32 $0xFFFFFEF7, lr;
	s5 =	simm.s32 $0xFFFFFFFF;
	p2 =	slt.u32 s8, $0xFFFFF086  }
0x1c: {  	p1 =	slt.u32 s9, $0xF7A;
	s5 =	simm.s32 @!p2 $0x0  }
0x1d: {  	s5 =	simm.s32 @p1 $0x1;
	p0 =	seq.s32 s7, s2  }
0x1e: {  	s7 =	smul.u32 @!p0 $0xF7A, s2;
	p2 =	seq.s32 @!p0 s5, $0x0  }
0x1f: {  	s9 =	smul.u32 $0xF7A, s1;
	s8 =	simm.s32 @!p0 $0x1BF5;
	p2 =	por !p2, p0  }
0x20: {  	[sflag:s8] =	ssyncset.s32 @!p0 $0xFFFFF086;
	s6 =	sadd.s32 @!p0 s3, s7;
	s7 =	simm.s32 @!p0 $0x108  }
0x21: {  	s3 =	sadd.s32 s3, s9;
	s6 =	sadd.s32 @!p0 $0x88, s6;
	s7 =	simm.s32 @p2 $0x1082  }
0x22: {  	[simem:s7], [sflag:s8] =	dma.local @!p0 [hbm:s6], $0xF7A  }
0x23: {  	s9 =	sor.u32 $0xD0000000, s2;
	s6 =	simm.s32 $0x108;
	_ =	swait.ge @!p0 [sflag:s8], $0x0  }
0x24: {  	s3 =	sadd.s32 $0x88, s3;
	s6 =	simm.s32 @!p1 $0x1082;
	[sflag:s4] =	ssyncset.s32 $0xFFFFF086  }
0x25: {  	[simem:s6], [sflag:s4] =	dma.local [hbm:s3], $0xF7A  }
0x26: {  	[smem:$0x3F9E] =	sst s1;
	(tag) =	ssettag s2;
	_ =	strace s9  }
0x27: {  	s1 =	sld [smem:$0x3FAE]  }
0x28: {  	s2 =	sld [smem:$0x3FAF]  }
0x29: {  	s4 =	sld [smem:$0x3FB1]  }
0x2a: {  	p0 =	seq.s32 s5, $0x0;
	s5 =	sld [smem:$0x3FB2]  }
0x2b: {  	s6 =	sld [smem:$0x3FB3]  }
0x2c: {  	s7 =	sld [smem:$0x3FB4]  }
0x2d: {  	s3 =	simm.s32 $0x108;
	s8 =	sld [smem:$0x3FB5]  }
0x2e: {  	s3 =	simm.s32 @!p0 $0x1082;
	s9 =	sld [smem:$0x3FB6]  }
0x2f: {  	lr =	sadd.s32 s0, s3;
	s0 =	sld [smem:$0x3FAD]  }
0x30: {  	s3 =	sld [smem:$0x3FB0]  }
0x31: {  	[smem:$0x3FB9] =	sst s10  }
0x32: {  	s10 =	sld [smem:$0x3FB7];
	_ =	sdelay $0x3  }
0x33: {  	p0 =	seq.s32 s10, $0x1;
	s10 =	sld [smem:$0x3FB9];
	_ =	sdelay $0x3  }
0x34: {  	[smem:$0x3FB9] =	sst s10  }
0x35: {  	s10 =	sld [smem:$0x3FB8];
	_ =	sdelay $0x3  }
0x36: {  	p1 =	seq.s32 s10, $0x1;
	s10 =	sld [smem:$0x3FB9];
	_ =	sdelay $0x3  }
0x37: {  	[smem:$0x3FB9] =	sst s10  }
0x38: {  	s10 =	sld [smem:$0x3FBA]  }
0x39: {  	_ = 	snop;
	(pc) =	sbr.ind lr, $3  }
0x3a: {  	_ = 	snop  }
0x3b: {  	_ = 	snop  }
0x3c: {  	p2 =	seq.s32 s10, $0x1;
	s10 =	sld [smem:$0x3FB9]  }
0x3d: {  	_ =	shalt  }
0x3e: {  	_ =	shalt  }
0x3f: {  	_ =	shalt  }
0x40: {  	_ =	shalt  }
0x41: {  	_ =	shalt  }
0x42: {  	_ =	shalt  }
0x43: {  	_ =	shalt  }
0x44: {  	_ =	shalt  }
0x45: {  	_ =	shalt  }
0x46: {  	_ =	shalt  }
0x47: {  	_ =	shalt  }
0x48: {  	_ =	shalt  }
0x49: {  	_ =	shalt  }
0x4a: {  	_ =	shalt  }
0x4b: {  	_ =	shalt  }
0x4c: {  	_ =	shalt  }
0x4d: {  	_ =	shalt  }
0x4e: {  	_ =	shalt  }
0x4f: {  	_ =	shalt  }
0x50: {  	_ =	shalt  }
0x51: {  	_ =	shalt  }
0x52: {  	_ =	shalt  }
0x53: {  	_ =	shalt  }
0x54: {  	_ =	shalt  }
0x55: {  	_ =	shalt  }
0x56: {  	_ =	shalt  }
0x57: {  	_ =	shalt  }
0x58: {  	_ =	shalt  }
0x59: {  	_ =	shalt  }
0x5a: {  	_ =	shalt  }
0x5b: {  	_ =	shalt  }
0x5c: {  	_ =	shalt  }
0x5d: {  	_ =	shalt  }
0x5e: {  	_ =	shalt  }
0x5f: {  	_ =	shalt  }
0x60: {  	_ =	shalt  }
0x61: {  	_ =	shalt  }
0x62: {  	_ =	shalt  }
0x63: {  	_ =	shalt  }
0x64: {  	_ =	shalt  }
0x65: {  	_ =	shalt  }
0x66: {  	_ =	shalt  }
0x67: {  	_ =	shalt  }
0x68: {  	_ =	shalt  }
0x69: {  	_ =	shalt  }
0x6a: {  	_ =	shalt  }
0x6b: {  	_ =	shalt  }
0x6c: {  	_ =	shalt  }
0x6d: {  	_ =	shalt  }
0x6e: {  	_ =	shalt  }
0x6f: {  	_ =	shalt  }
0x70: {  	_ =	shalt  }
0x71: {  	_ =	shalt  }
0x72: {  	_ =	shalt  }
0x73: {  	_ =	shalt  }
0x74: {  	_ =	shalt  }
0x75: {  	_ =	shalt  }
0x76: {  	_ =	shalt  }
0x77: {  	_ =	shalt  }
0x78: {  	_ =	shalt  }
0x79: {  	_ =	shalt  }
0x7a: {  	_ =	shalt  }
0x7b: {  	_ =	shalt  }
0x7c: {  	_ =	shalt  }
0x7d: {  	_ =	shalt  }
0x7e: {  	_ =	shalt  }
0x7f: {  	_ =	shalt  }
0x80: {  	_ =	shalt  }
0x81: {  	_ =	shalt  }
0x82: {  	_ =	shalt  }
0x83: {  	_ =	shalt  }
0x84: {  	_ =	shalt  }
0x85: {  	_ =	shalt  }
0x86: {  	_ =	shalt  }
0x87: {  	_ =	shalt  }
.Lfunc_end0:
.L_simem_size_0:
called_computation_lowered:
.L_overlay_start_0:
0x88: {  	s2 =	sld [smem:$0x3FD9]  }
0x89: {  	s3 =	sld [smem:$0x3FFE];
	_ =	sdelay $0x1  }
0x8a: {  	s1 =	srdreg.scid  }
0x8b: {  	s0 =	sand.u32 $0x1, s1  }
0x8c: {  	s17 =	sshll.u32 s0, $0xA;
	s2 =	sadd.s32 s3, s2  }
0x8d: {  	s2 =	sadd.s32 s2, s17  }
0x8e: {  	[smem:$0x3FC5] =	sst s2  }
0x8f: {  	_ = 	snop  }
0x90: {  	s2 =	sld [smem:$0x3FC9]  }
0x91: {  	s18 =	sld [smem:$0x3FD0];
	(tm) =	ssettm $0x1  }
0x92: {  	s4 =	sld [smem:$0x3FFB];
	_ =	sdelay $0x3  }
0x93: {  	_ =	strace s4  }
0x94: {  	s4 =	sld [smem:$0x3FFC];
	_ =	sdelay $0x3  }
0x95: {  	_ =	strace s4  }
0x96: {  	s4 =	sld [smem:$0x3FFD];
	_ =	sdelay $0x3  }
0x97: {  	_ =	strace s4  }
0x98: {  	_ =	strace $0x8FFFFFFF  }
0x99: {  	s19 =	sld [smem:$0x3FDB];
	_ =	sdelay $0x1  }
0x9a: {  	s5 =	simm.s32 $_scs_section_size  }
0x9b: {  	s6 =	simm.s32 $_size__tile_overlayer_lowered;
	s7 =	simm.s32 $_tile_overlayer_lowered  }
0x9c: {  	s22 =	simm.s32 $0x1BFF;
	s21 =	sshll.u32 s7, $0x1;
	s4 =	sadd.s32 s5, s19  }
0x9d: {  	s8 =	simm.s32 $0x0;
	s20 =	sshll.u32 s6, $0x1;
	s6 =	sadd.s32 s21, s4  }
0x9e: {  	[timem:s8], [sflag:s22] =	dma.local [hbm:s6], s20  }
0x9f: {  	_ =	swait.ge [sflag:s22], s20  }
0xa0: {  	s5 =	ssub.s32 $0x0, s20;
	[sflag:s22] =	ssyncset.done $0x0  }
0xa1: {  	[sflag:s22] =	ssyncadd.s32 s5;
	_ =	sdelay $0x1  }
0xa2: {  	s23 =	simm.s32 $0x1B8B  }
0xa3: {  	_ =	swait.ge [sflag:s23], $0x1  }
0xa4: {  	[sflag:s23] =	ssyncset.done $0x0  }
0xa5: {  	s25 =	simm.s32 $0x1B8E;
	s24 =	sld [smem:$0x3FFE];
	[sflag:s23] =	ssyncadd.s32 $0xFFFFFFFF  }
0xa6: {  	s26 =	simm.s32 $execute0_lowered;
	[smem:$0x3FD2] =	sst s25  }
0xa7: {  	s6 =	sshll.u32 s26, $0x1;
	_ =	strace $0x80000046;
	[dreg:$0x1] =	wrdreg $0xFFFFFFFF  }
0xa8: {  	s28 =	simm.s32 $_size_execute0_lowered;
	s4 =	sadd.s32 s4, s6;
	[dreg:$0x0] =	wrdreg $0x0  }
0xa9: {  	s6 =	sshll.u32 s28, $0x1;
	[dreg:$0x2] =	wrdreg s4  }
0xaa: {  	[dreg:$0x3] =	wrdreg s6  }
0xab: {  	[dreg:$0x4] =	wrdreg $0xC0  }
0xac: {  	_ =	task [dreg:s8], $0x5FFFF  }
0xad: {  	[dreg:$0x1] =	wrdreg $0xFFFFFFFF  }
0xae: {  	[dreg:$0x0] =	wrdreg $0x60  }
0xaf: {  	[dreg:$0x2] =	wrdreg s2  }
0xb0: {  	[dreg:$0x3] =	wrdreg s24  }
0xb1: {  	[dreg:$0x4] =	wrdreg s18  }
0xb2: {  	[dreg:$0x5] =	wrdreg $0x9  }
0xb3: {  	_ =	task.clear_ibuf [dreg:s8], $0x6FFFF;
	_ =	strace $0x90000046  }
0xb4: {  	s29 =	simm.s32 $0x9;
	_ =	strace $0x80000048  }
0xb5: {  	_ =	swait.ge [sflag:s29], $0x1  }
0xb6: {  	[sflag:s29] =	ssyncadd.s32 $0xFFFFFFFF  }
0xb7: {  	_ =	strace $0x90000048  }
0xb8: {  	_ =	sfence  }
0xb9: {  	s30 =	sld [smem:$0x0];
	_ =	sdelay $0x2  }
0xba: {  	s31 =	sshll.u32 s1, $0xD;
	s1 =	sshrl.u32 s1, $0x2  }
0xbb: {  	s3 =	sand.u32 $0x4000, s31;
	s1 =	sadd.s32 s1, s30  }
0xbc: {  	s0 =	sor.u32 s3, s0;
	s1 =	sshll.u32 s1, $0x11  }
0xbd: {  	s0 =	sor.u32 s1, s0  }
0xbe: {  	s0 =	sadd.s32 $0x8F2B, s0  }
0xbf: {  	[sflag:s0] =	ssyncadd.remote.s32 $0x1  }
0xc0: {  	_ =	sfence.sel $0xFFFF  }
0xc1: {  	[dreg:$0x0] =	wrdreg $0xFFFFFFFF;
	(pc) =	sbr.abs _section_cstart, $3  }
0xc2: {  	[dreg:$0x1] =	wrdreg $0xFFFFFFFF  }
0xc3: {  	_ =	task.clear_ibuf [dreg:s8], $0x2FFFF;
	_ =	strace $0x9FFFFFFF  }
0xc4: {  	(tm) =	ssettm $0x7FFFFFFF  }
0xc5: {  	_ =	shalt  }
tec
execute0_lowered:
.L_overlay_start_1:
0x0: {  	(tag) =	ssettag $0x1  }
0x1: {  	s0 =	rddreg [dreg:$0x0]  }
0x2: {  	s1 =	rddreg [dreg:$0x1]  }
0x3: {  	s9 =	rddreg [dreg:$0x2];
	s3 =	simm.s32 $0x0;
	s4 =	srdreg.scid  }
0x4: {  	s2 =	stileid.u32;
	s11 =	simm.s32 $0x1000;
	s12 =	simm.s32 $0x20000  }
0x5: {  	s13 =	simm.s32 $0xB590;
	s14 =	simm.s32 $0x6;
	s15 =	simm.s32 $0x5000  }
0x6: {  	s16 =	simm.s32 $0x5BB8;
	s17 =	simm.s32 $0x7328;
	s18 =	simm.s32 $0x9268  }
0x7: {  	s19 =	simm.s32 $0x1;
	s20 =	simm.s32 $0x2;
	s21 =	simm.s32 $0x3  }
0x8: {  	s22 =	simm.s32 $0x4;
	s23 =	simm.s32 $0x5;
	s24 =	simm.s32 $0xB600  }
0x9: {  	s25 =	simm.s32 $0x0;
	[smem:$0x7FF] =	sst s3;
	s4 =	sand.u32 $0x1, s4  }
0xa: {  	s6 =	sshll.u32 s2, $0xA;
	s5 =	ssub.s32 $0x2, s4;
	s4 =	sshll.u32 s4, $0x9  }
0xb: {  	_ =	strace $0x80000047;
	s7 =	sshrl.u32 s5, $0x1;
	s8 =	sor.u32 s4, s6  }
0xc: {  	s6 =	sadd.s32 $0x177, s1;
	s10 =	ssub.s32 s5, s7;
	s4 =	sadd.s32 s0, s8  }
0xd: {  	s5 =	sadd.s32 $0xCB2, s1;
	s7 =	sadd.s32 $0x465, s1;
	s31 =	sshrl.u32 s8, $0x3  }
0xe: {  	s8 =	sadd.s32 $0x84D, s1;
	s9 =	sadd.s32 s9, s31;
	s10 =	smax.u32 s10, $0x1  }
.LBB2_1:
0xf: {  	[tilespmem:s3], [sflag:$0x1] =	stream.strided.gather [hbm4b:s4+s11], $0x5000, s12, s11, $0x38;
	[tilespmem:$0xB800] =	vst v63  }
0x10: {  	_ = 	snop  }
0x11: {  	[tilespmem:s13], [sflag:$0x6] =	stream.linear.gather [hbm4b:s5+s3], $0x8, $0x38;
	[tilespmem:$0xB800] =	vst v63  }
0x12: {  	_ =	swait.ge [sflag:s14], $0x8  }
0x13: {  	[sflag:s14] =	ssyncset.done $0x0  }
0x14: {  	[sflag:s14] =	ssyncadd.s32 $0xFFFFFFF8  }
0x15: {  	[tilespmem:s15], [sflag:$0x2] =	stream.linear.gather [hbm4b:s1+s3], $0xBB8, $0x38;
	[tilespmem:$0xB800] =	vst v63  }
0x16: {  	_ = 	snop  }
0x17: {  	[tilespmem:s16], [sflag:$0x3] =	stream.linear.gather [hbm4b:s6+s3], $0x1770, $0x38;
	[tilespmem:$0xB800] =	vst v63  }
0x18: {  	_ = 	snop  }
0x19: {  	[tilespmem:s17], [sflag:$0x4] =	stream.linear.gather [hbm4b:s7+s3], $0x1F40, $0x38;
	[tilespmem:$0xB800] =	vst v63  }
0x1a: {  	_ = 	snop  }
0x1b: {  	[tilespmem:s18], [sflag:$0x5] =	stream.linear.gather [hbm4b:s8+s3], $0x2328, $0x38;
	[tilespmem:$0xB800] =	vst v63  }
0x1c: {  	v6 =	vld [tilespmem:$0xB590];
	_ =	swait.ge [sflag:s19], $0x5000  }
0x1d: {  	s0 =	sand.u32 $0x70, s3;
	s26 =	sand.u32 $0xC00, s3;
	[sflag:s19] =	ssyncset.done $0x0  }
0x1e: {  	s0 =	sor.u32 s0, s26;
	[sflag:s19] =	ssyncadd.s32 $0xFFFFB000  }
0x1f: {  	v1 =	vld [tilespmem:s0+$0x3100]  }
0x20: {  	v2 =	vld [tilespmem:s0+$0x3180];
	_ =	sdelay $0x1  }
0x21: {  	v3 =	vld [tilespmem:s0+$0x3200]  }
0x22: {  	s31 =	simm.s32 $0x10;
	s28 =	simm.s32 $0x80;
	v4 =	vbroadcast v6, $0x0;
	v5 =	vbroadcast v6, $0x1  }
0x23: {  	s26 =	sand.u32 $0x70, s31;
	s28 =	sand.u32 $0xC00, s28;
	v7 =	vld [tilespmem:s0+$0x3280];
	v0 =	vbroadcast v6, $0x2  }
0x24: {  	s28 =	sor.u32 s26, s28;
	v9 =	vld [tilespmem:s0+$0x3300];
	v1 =	vmul.f32 v1, v4;
	v8 =	vmul.f32 v2, v5  }
0x25: {  	v10 =	vld [tilespmem:s28+$0x3100]  }
0x26: {  	v11 =	vld [tilespmem:s28+$0x3180];
	v2 =	vbroadcast v6, $0x3;
	v3 =	vmul.f32 v3, v0;
	v8 =	vadd.f32 v8, v1  }
0x27: {  	v12 =	vld [tilespmem:s0+$0x3380]  }
0x28: {  	v13 =	vld [tilespmem:s28+$0x3200];
	v1 =	vbroadcast v6, $0x4;
	v7 =	vmul.f32 v7, v2;
	v8 =	vadd.f32 v3, v8  }
0x29: {  	s2 =	simm.s32 $0x20;
	s29 =	simm.s32 $0x100;
	v14 =	vld [tilespmem:s0+$0x4000]  }
0x2a: {  	s31 =	sand.u32 $0x70, s2;
	s2 =	sand.u32 $0xC00, s29;
	v15 =	vld [tilespmem:s28+$0x3280];
	v3 =	vbroadcast v6, $0x5;
	v7 =	vadd.f32 v7, v8;
	v8 =	vmul.f32 v9, v1  }
0x2b: {  	s26 =	sor.u32 s31, s2;
	v16 =	vld [tilespmem:s28+$0x3300];
	v9 =	vmul.f32 v10, v4;
	v10 =	vmul.f32 v11, v5  }
0x2c: {  	v17 =	vld [tilespmem:s26+$0x3100];
	v6 =	vbroadcast v6, $0x6;
	v11 =	vmul.f32 v12, v3;
	v8 =	vadd.f32 v8, v7  }
0x2d: {  	v18 =	vld [tilespmem:s26+$0x3180];
	v12 =	vmul.f32 v13, v0;
	v10 =	vadd.f32 v10, v9  }
0x2e: {  	v13 =	vmul.f32 v14, v6;
	v7 =	vld [tilespmem:s28+$0x3380];
	v11 =	vadd.f32 v11, v8  }
0x2f: {  	v9 =	vld [tilespmem:s26+$0x3200];
	v10 =	vadd.f32 v12, v10;
	v12 =	vmul.f32 v15, v2  }
0x30: {  	s29 =	simm.s32 $0x180;
	s31 =	simm.s32 $0x30;
	v8 =	vld [tilespmem:s28+$0x4000];
	v19 =	vadd.f32 v13, v11  }
0x31: {  	s0 =	sand.u32 $0x70, s31;
	s28 =	sand.u32 $0xC00, s29;
	v11 =	vld [tilespmem:s26+$0x3280];
	v13 =	vmul.f32 v16, v1;
	v12 =	vadd.f32 v12, v10  }
0x32: {  	s30 =	simm.s32 $0x40;
	v14 =	vmul.f32 v17, v4;
	v15 =	vmul.f32 v18, v5;
	s0 =	sor.u32 s0, s28;
	s28 =	simm.s32 $0xB600;
	v10 =	vld [tilespmem:s26+$0x3300];
	[tilespmem:s24+$0x0] =	vst v19  }
.LBB2_2:
0x33: {  	p0 =	sne.s32 s30, $0x1F0;
	v16 =	vld [tilespmem:s0+$0x3100];
	v12 =	vadd.f32 v13, v12;
	v13 =	vmul.f32 v7, v3  }
0x34: {  	v17 =	vld [tilespmem:s0+$0x3180];
	v14 =	vadd.f32 v15, v14;
	v15 =	vmul.f32 v9, v0  }
.Ltmp0:
0x35: {  	v7 =	vld [tilespmem:s26+$0x3380];
	v12 =	vadd.f32 v13, v12;
	v13 =	vmul.f32 v8, v6;
	(pc) =	sbr.rel @p0 .LBB2_2-.Ltmp0, $4  }
0x36: {  	v9 =	vld [tilespmem:s0+$0x3200];
	v14 =	vadd.f32 v15, v14;
	v15 =	vmul.f32 v11, v2  }
0x37: {  	s29 =	sadd.s32 $0x80, s29;
	v8 =	vld [tilespmem:s26+$0x4000];
	v18 =	vadd.f32 v13, v12;
	s26 =	smov.u32 s0  }
0x38: {  	s28 =	sadd.s32 $0x10, s28;
	s31 =	sand.u32 $0xC00, s29;
	s0 =	sand.u32 $0x70, s30;
	v13 =	vmul.f32 v10, v1;
	v11 =	vld [tilespmem:s26+$0x3280];
	v12 =	vadd.f32 v15, v14  }
0x39: {  	s30 =	sadd.s32 $0x10, s30;
	s0 =	sor.u32 s0, s31;
	v14 =	vmul.f32 v16, v4;
	v15 =	vmul.f32 v17, v5;
	v10 =	vld [tilespmem:s26+$0x3300];
	[tilespmem:s28+$0x0] =	vst v18  }
0x3a: {  	v16 =	vld [tilespmem:s0+$0x3100]  }
0x3b: {  	v17 =	vld [tilespmem:s0+$0x3180];
	_ =	sdelay $0x1  }
0x3c: {  	v18 =	vld [tilespmem:s0+$0x3200];
	_ =	sdelay $0x1  }
0x3d: {  	v19 =	vld [tilespmem:s0+$0x3280]  }
0x3e: {  	v4 =	vmul.f32 v16, v4;
	v5 =	vmul.f32 v17, v5  }
0x3f: {  	v61 =	vld [tilespmem:s0+$0x3300];
	v14 =	vadd.f32 v15, v14;
	v9 =	vmul.f32 v9, v0  }
0x40: {  	v0 =	vmul.f32 v18, v0;
	v4 =	vadd.f32 v5, v4;
	v5 =	vld [tilespmem:s26+$0x3380]  }
0x41: {  	v62 =	vld [tilespmem:s0+$0x3380];
	v9 =	vadd.f32 v9, v14;
	v11 =	vmul.f32 v11, v2  }
0x42: {  	v12 =	vadd.f32 v13, v12;
	v63 =	vld [tilespmem:s26+$0x4000];
	v2 =	vmul.f32 v19, v2;
	v0 =	vadd.f32 v0, v4  }
0x43: {  	v4 =	vmul.f32 v7, v3;
	v7 =	vadd.f32 v11, v9;
	v9 =	vmul.f32 v10, v1;
	v10 =	vld [tilespmem:s0+$0x4000]  }
0x44: {  	v1 =	vmul.f32 v61, v1;
	v0 =	vadd.f32 v2, v0  }
0x45: {  	v2 =	vadd.f32 v4, v12;
	v4 =	vadd.f32 v9, v7;
	v5 =	vmul.f32 v5, v3  }
0x46: {  	v7 =	vmul.f32 v8, v6;
	v0 =	vadd.f32 v1, v0;
	v1 =	vmul.f32 v62, v3  }
0x47: {  	v3 =	vadd.f32 v5, v4;
	v4 =	vmul.f32 v63, v6  }
0x48: {  	v2 =	vadd.f32 v7, v2;
	v0 =	vadd.f32 v1, v0;
	v1 =	vmul.f32 v10, v6  }
0x49: {  	s26 =	sadd.s32 $0x10, s28;
	v3 =	vadd.f32 v4, v3  }
0x4a: {  	s0 =	sadd.s32 $0x10, s26;
	[tilespmem:s26+$0x0] =	vst v2;
	v0 =	vadd.f32 v1, v0  }
0x4b: {  	[tilespmem:s0+$0x0] =	vst v3;
	s0 =	sadd.s32 $0x10, s0  }
0x4c: {  	[tilespmem:s0+$0x0] =	vst v0  }
0x4d: {  	s31 =	simm.s32 $0x0;
	_ =	swait.ge [sflag:s20], $0xBB8  }
0x4e: {  	s2 =	sand.u32 $0x70, s31;
	s0 =	sand.u32 $0xC00, s31;
	[sflag:s20] =	ssyncset.done $0x0  }
0x4f: {  	s0 =	sor.u32 s2, s0;
	[sflag:s20] =	ssyncadd.s32 $0xFFFFF448  }
0x50: {  	v0 =	vld [tilespmem:s0+$0x0]  }
0x51: {  	v1 =	vld [tilespmem:s0+$0x80];
	_ =	sdelay $0x3  }
0x52: {  	s31 =	simm.s32 $0x10;
	s2 =	simm.s32 $0x80;
	v2 =	vld [tilespmem:s0+$0x100]  }
0x53: {  	s26 =	sand.u32 $0xC00, s2;
	s0 =	sand.u32 $0x70, s31;
	v0 =	vtrunc.f32 v0;
	v1 =	vtrunc.f32 v1  }
0x54: {  	s0 =	sor.u32 s0, s26;
	v0 =	vcvt.f32.s32 v0;
	v1 =	vcvt.f32.s32 v1  }
0x55: {  	v3 =	vld [tilespmem:s0+$0x0]  }
0x56: {  	v4 =	vld [tilespmem:s0+$0x80];
	v1 =	vadd.s32 $0x3E8, v1  }
0x57: {  	v2 =	vtrunc.f32 v2  }
0x58: {  	s26 =	simm.s32 $0xB600;
	v5 =	vld [tilespmem:s0+$0x100];
	v2 =	vcvt.f32.s32 v2  }
0x59: {  	s28 =	simm.s32 $0x20;
	s31 =	simm.s32 $0x100;
	v6 =	vld [tilespmem:s26+$0x0]  }
0x5a: {  	s28 =	sand.u32 $0x70, s28;
	s0 =	sand.u32 $0xC00, s31;
	v3 =	vtrunc.f32 v3;
	v2 =	vadd.s32 $0x7D0, v2;
	v9 =	vld.idx.msk [tilespmem:v0+s15+$0x0], $0xffff  }
0x5b: {  	s0 =	sor.u32 s28, s0;
	v3 =	vcvt.f32.s32 v3;
	v0 =	vld.idx.msk [tilespmem:v1+s15+$0x0], $0xffff;
	v1 =	vtrunc.f32 v4  }
0x5c: {  	v10 =	vld [tilespmem:s0+$0x0];
	v7 =	vcvt.f32.s32 v1  }
0x5d: {  	v5 =	vtrunc.f32 v5;
	v4 =	vld [tilespmem:s0+$0x80]  }
0x5e: {  	v8 =	vcvt.f32.s32 v5;
	v5 =	vld [tilespmem:s0+$0x100];
	v7 =	vadd.s32 $0x3E8, v7  }
0x5f: {  	s29 =	simm.s32 $0x30;
	s28 =	simm.s32 $0xB610;
	s0 =	simm.s32 $0x180;
	v1 =	vld.idx.msk [tilespmem:v2+s15+$0x0], $0xffff  }
0x60: {  	s29 =	sand.u32 $0x70, s29;
	v8 =	vadd.s32 $0x7D0, v8;
	s30 =	sand.u32 $0xC00, s0;
	v2 =	vld [tilespmem:s28+$0x0];
	v6 =	vadd.f32 v9, v6  }
0x61: {  	v3 =	vld.idx.msk [tilespmem:v3+s15+$0x0], $0xffff;
	s30 =	sor.u32 s29, s30;
	s29 =	simm.s32 $0x40;
	v9 =	vtrunc.f32 v10  }
.LBB2_4:
0x62: {  	p0 =	sne.s32 s29, $0x1F0;
	v10 =	vld [tilespmem:s30+$0x0];
	v11 =	vcvt.f32.s32 v9;
	v4 =	vtrunc.f32 v4;
	v6 =	vadd.f32 v0, v6  }
0x63: {  	v9 =	vcvt.f32.s32 v4;
	v0 =	vld.idx.msk [tilespmem:v7+s15+$0x0], $0xffff  }
.Ltmp1:
0x64: {  	v4 =	vld [tilespmem:s30+$0x80];
	v5 =	vtrunc.f32 v5;
	v6 =	vadd.f32 v1, v6;
	(pc) =	sbr.rel @p0 .LBB2_4-.Ltmp1, $4  }
0x65: {  	v7 =	vadd.s32 $0x3E8, v9;
	v9 =	vcvt.f32.s32 v5;
	v1 =	vld.idx.msk [tilespmem:v8+s15+$0x0], $0xffff  }
0x66: {  	s0 =	sadd.s32 $0x80, s0;
	v5 =	vld [tilespmem:s30+$0x100];
	[tilespmem:s26+$0x0] =	vst v6;
	s26 =	smov.u32 s28;
	s28 =	sadd.s32 $0x10, s28  }
0x67: {  	s31 =	sand.u32 $0xC00, s0;
	s30 =	sand.u32 $0x70, s29;
	v6 =	vadd.f32 v3, v2;
	v8 =	vadd.s32 $0x7D0, v9;
	v2 =	vld [tilespmem:s28+$0x0]  }
0x68: {  	s29 =	sadd.s32 $0x10, s29;
	s30 =	sor.u32 s30, s31;
	v9 =	vtrunc.f32 v10;
	v3 =	vld.idx.msk [tilespmem:v11+s15+$0x0], $0xffff  }
0x69: {  	v10 =	vld [tilespmem:s30+$0x0]  }
0x6a: {  	v11 =	vld [tilespmem:s30+$0x80];
	_ =	sdelay $0x1  }
0x6b: {  	v12 =	vld [tilespmem:s30+$0x100]  }
0x6c: {  	v9 =	vcvt.f32.s32 v9;
	v4 =	vtrunc.f32 v4  }
0x6d: {  	v4 =	vcvt.f32.s32 v4;
	v10 =	vtrunc.f32 v10  }
0x6e: {  	v11 =	vtrunc.f32 v11;
	v10 =	vcvt.f32.s32 v10  }
0x6f: {  	v7 =	vld.idx.msk [tilespmem:v7+s15+$0x0], $0xffff;
	v5 =	vtrunc.f32 v5;
	v11 =	vcvt.f32.s32 v11  }
0x70: {  	v8 =	vld.idx.msk [tilespmem:v8+s15+$0x0], $0xffff;
	s0 =	sadd.s32 $0x10, s28;
	v4 =	vadd.s32 $0x3E8, v4;
	v5 =	vcvt.f32.s32 v5;
	v12 =	vtrunc.f32 v12  }
0x71: {  	v13 =	vld [tilespmem:s0+$0x0];
	s29 =	sadd.s32 $0x10, s0;
	v12 =	vcvt.f32.s32 v12;
	v11 =	vadd.s32 $0x3E8, v11  }
0x72: {  	v14 =	vld [tilespmem:s29+$0x0];
	v5 =	vadd.s32 $0x7D0, v5  }
0x73: {  	v9 =	vld.idx.msk [tilespmem:v9+s15+$0x0], $0xffff;
	v12 =	vadd.s32 $0x7D0, v12  }
0x74: {  	v10 =	vld.idx.msk [tilespmem:v10+s15+$0x0], $0xffff  }
0x75: {  	v4 =	vld.idx.msk [tilespmem:v4+s15+$0x0], $0xffff  }
0x76: {  	v11 =	vld.idx.msk [tilespmem:v11+s15+$0x0], $0xffff  }
0x77: {  	v2 =	vadd.f32 v3, v2;
	v3 =	vld.idx.msk [tilespmem:v5+s15+$0x0], $0xffff  }
0x78: {  	v0 =	vadd.f32 v0, v6;
	v5 =	vadd.f32 v9, v13;
	v6 =	vld.idx.msk [tilespmem:v12+s15+$0x0], $0xffff  }
0x79: {  	v2 =	vadd.f32 v7, v2;
	v7 =	vadd.f32 v10, v14  }
0x7a: {  	v0 =	vadd.f32 v1, v0;
	v1 =	vadd.f32 v4, v5  }
0x7b: {  	v2 =	vadd.f32 v8, v2;
	v4 =	vadd.f32 v11, v7  }
0x7c: {  	[tilespmem:s26+$0x0] =	vst v0;
	v0 =	vadd.f32 v3, v1  }
0x7d: {  	[tilespmem:s28+$0x0] =	vst v2;
	v1 =	vadd.f32 v6, v4  }
0x7e: {  	[tilespmem:s0+$0x0] =	vst v0  }
0x7f: {  	[tilespmem:s29+$0x0] =	vst v1  }
0x80: {  	s0 =	simm.s32 $0x0;
	_ =	swait.ge [sflag:s21], $0x1770  }
0x81: {  	s2 =	sand.u32 $0x70, s0;
	s28 =	sand.u32 $0xC00, s0;
	[sflag:s21] =	ssyncset.done $0x0  }
0x82: {  	s28 =	sor.u32 s2, s28;
	[sflag:s21] =	ssyncadd.s32 $0xFFFFE890  }
0x83: {  	v0 =	vld [tilespmem:s28+$0x180];
	_ =	sdelay $0x1  }
0x84: {  	v1 =	vld [tilespmem:s28+$0x200];
	_ =	sdelay $0x1  }
0x85: {  	v2 =	vld [tilespmem:s28+$0x280]  }
0x86: {  	v3 =	vld [tilespmem:s28+$0x300];
	v0 =	vtrunc.f32 v0  }
0x87: {  	s0 =	sor.u32 s0, s0;
	v0 =	vcvt.f32.s32 v0  }
0x88: {  	s0 =	sor.u32 $0x380, s0;
	v1 =	vtrunc.f32 v1  }
0x89: {  	s2 =	simm.s32 $0x10;
	s29 =	simm.s32 $0x80;
	v4 =	vld [tilespmem:s0+$0x0];
	v1 =	vcvt.f32.s32 v1;
	v0 =	vadd.s32 $0xBB8, v0  }
0x8a: {  	s26 =	simm.s32 $0xB600;
	s30 =	sand.u32 $0xC00, s29;
	v5 =	vld [tilespmem:s28+$0x1000];
	s28 =	sand.u32 $0x70, s2;
	v2 =	vtrunc.f32 v2  }
0x8b: {  	v6 =	vld [tilespmem:s26+$0x0];
	s28 =	sor.u32 s28, s30;
	v3 =	vtrunc.f32 v3;
	v2 =	vcvt.f32.s32 v2;
	v1 =	vadd.s32 $0xFA0, v1  }
0x8c: {  	v7 =	vld [tilespmem:s28+$0x180];
	v3 =	vcvt.f32.s32 v3  }
0x8d: {  	v10 =	vld [tilespmem:s28+$0x280];
	v2 =	vadd.s32 $0x1388, v2  }
0x8e: {  	v3 =	vadd.s32 $0x1770, v3;
	v8 =	vld.idx.msk [tilespmem:v0+s15+$0x0], $0xffff;
	v0 =	vtrunc.f32 v4  }
0x8f: {  	v4 =	vld [tilespmem:s28+$0x200];
	v0 =	vcvt.f32.s32 v0  }
0x90: {  	v9 =	vld.idx.msk [tilespmem:v1+s15+$0x0], $0xffff;
	v1 =	vtrunc.f32 v5  }
0x91: {  	v63 =	vld [tilespmem:s28+$0x300];
	v11 =	vadd.s32 $0x1B58, v0;
	v0 =	vcvt.f32.s32 v1  }
0x92: {  	s0 =	sor.u32 s29, s2;
	v62 =	vld.idx.msk [tilespmem:v2+s15+$0x0], $0xffff;
	v1 =	vtrunc.f32 v7  }
0x93: {  	s0 =	sor.u32 $0x380, s0;
	v2 =	vadd.s32 $0x1F40, v0;
	v0 =	vld.idx.msk [tilespmem:v3+s15+$0x0], $0xffff;
	v3 =	vadd.f32 v8, v6;
	v6 =	vcvt.f32.s32 v1  }
0x94: {  	v5 =	vld [tilespmem:s0+$0x0];
	v4 =	vtrunc.f32 v4  }
0x95: {  	v7 =	vcvt.f32.s32 v4;
	v4 =	vld [tilespmem:s28+$0x1000];
	v3 =	vadd.f32 v9, v3;
	v8 =	vadd.s32 $0xBB8, v6  }
0x96: {  	s29 =	simm.s32 $0x100;
	s30 =	simm.s32 $0x20;
	s28 =	simm.s32 $0xB610;
	v6 =	vtrunc.f32 v10;
	v1 =	vld.idx.msk [tilespmem:v11+s15+$0x0], $0xffff  }
0x97: {  	s31 =	sand.u32 $0xC00, s29;
	s2 =	sand.u32 $0x70, s30;
	v7 =	vadd.s32 $0xFA0, v7;
	v9 =	vcvt.f32.s32 v6;
	v6 =	vadd.f32 v62, v3;
	v3 =	vld [tilespmem:s28+$0x0]  }
0x98: {  	s31 =	sor.u32 s2, s31;
	s0 =	simm.s32 $0x30;
	v10 =	vtrunc.f32 v63;
	v2 =	vld.idx.msk [tilespmem:v2+s15+$0x0], $0xffff  }
.LBB2_6:
0x99: {  	p0 =	sne.s32 s0, $0x1F0;
	v11 =	vld [tilespmem:s31+$0x180];
	v9 =	vadd.s32 $0x1388, v9;
	v10 =	vcvt.f32.s32 v10;
	v0 =	vadd.f32 v0, v6  }
0x9a: {  	v5 =	vtrunc.f32 v5;
	v6 =	vld.idx.msk [tilespmem:v8+s15+$0x0], $0xffff  }
0x9b: {  	v5 =	vcvt.f32.s32 v5;
	v8 =	vld [tilespmem:s31+$0x200];
	v10 =	vadd.s32 $0x1770, v10;
	v0 =	vadd.f32 v1, v0  }
0x9c: {  	v4 =	vtrunc.f32 v4;
	v1 =	vld.idx.msk [tilespmem:v7+s15+$0x0], $0xffff  }
0x9d: {  	v12 =	vadd.s32 $0x1B58, v5;
	v4 =	vcvt.f32.s32 v4;
	v7 =	vld [tilespmem:s31+$0x280];
	v0 =	vadd.f32 v2, v0  }
0x9e: {  	v2 =	vld.idx.msk [tilespmem:v9+s15+$0x0], $0xffff  }
0x9f: {  	s2 =	sor.u32 s29, s30;
	s30 =	smov.u32 s0;
	v5 =	vtrunc.f32 v11;
	v13 =	vadd.s32 $0x1F40, v4;
	v11 =	vld [tilespmem:s31+$0x300];
	[tilespmem:s26+$0x0] =	vst v0;
	s26 =	smov.u32 s28  }
0xa0: {  	s2 =	sor.u32 $0x380, s2;
	v4 =	vcvt.f32.s32 v5;
	v3 =	vadd.f32 v6, v3;
	v0 =	vld.idx.msk [tilespmem:v10+s15+$0x0], $0xffff  }
.Ltmp2:
0xa1: {  	v6 =	vtrunc.f32 v8;
	v5 =	vld [tilespmem:s2+$0x0];
	(pc) =	sbr.rel @p0 .LBB2_6-.Ltmp2, $4  }
0xa2: {  	v8 =	vadd.s32 $0xBB8, v4;
	v6 =	vcvt.f32.s32 v6;
	v3 =	vadd.f32 v1, v3;
	v1 =	vld.idx.msk [tilespmem:v12+s15+$0x0], $0xffff  }
0xa3: {  	s29 =	sadd.s32 $0x80, s29;
	v9 =	vtrunc.f32 v7;
	v4 =	vld [tilespmem:s31+$0x1000]  }
0xa4: {  	s28 =	sadd.s32 $0x10, s28;
	s2 =	sand.u32 $0x70, s0;
	s31 =	sand.u32 $0xC00, s29;
	v7 =	vadd.s32 $0xFA0, v6;
	v9 =	vcvt.f32.s32 v9;
	v6 =	vadd.f32 v2, v3;
	v2 =	vld.idx.msk [tilespmem:v13+s15+$0x0], $0xffff  }
0xa5: {  	s0 =	sadd.s32 $0x10, s0;
	s31 =	sor.u32 s2, s31;
	v10 =	vtrunc.f32 v11;
	v3 =	vld [tilespmem:s28+$0x0]  }
0xa6: {  	v11 =	vld [tilespmem:s31+$0x180];
	_ =	sdelay $0x1  }
0xa7: {  	v12 =	vld [tilespmem:s31+$0x200];
	_ =	sdelay $0x1  }
0xa8: {  	v13 =	vld [tilespmem:s31+$0x280]  }
0xa9: {  	v11 =	vtrunc.f32 v11  }
0xaa: {  	v14 =	vld [tilespmem:s31+$0x300];
	s0 =	sor.u32 s29, s30;
	v11 =	vcvt.f32.s32 v11  }
0xab: {  	s0 =	sor.u32 $0x380, s0;
	v12 =	vtrunc.f32 v12  }
0xac: {  	v15 =	vld [tilespmem:s0+$0x0];
	v12 =	vcvt.f32.s32 v12;
	v11 =	vadd.s32 $0xBB8, v11  }
0xad: {  	v13 =	vtrunc.f32 v13  }
0xae: {  	v16 =	vld [tilespmem:s31+$0x1000];
	v13 =	vcvt.f32.s32 v13;
	v12 =	vadd.s32 $0xFA0, v12  }
0xaf: {  	v9 =	vadd.s32 $0x1388, v9;
	v10 =	vcvt.f32.s32 v10;
	v8 =	vld.idx.msk [tilespmem:v8+s15+$0x0], $0xffff;
	s2 =	sadd.s32 $0x10, s28;
	v14 =	vtrunc.f32 v14  }
0xb0: {  	v5 =	vtrunc.f32 v5;
	v17 =	vld [tilespmem:s2+$0x0];
	v14 =	vcvt.f32.s32 v14;
	v13 =	vadd.s32 $0x1388, v13  }
0xb1: {  	v5 =	vcvt.f32.s32 v5;
	v10 =	vadd.s32 $0x1770, v10;
	v15 =	vtrunc.f32 v15;
	v11 =	vld.idx.msk [tilespmem:v11+s15+$0x0], $0xffff  }
0xb2: {  	v7 =	vld.idx.msk [tilespmem:v7+s15+$0x0], $0xffff;
	v4 =	vtrunc.f32 v4;
	v14 =	vadd.s32 $0x1770, v14;
	v15 =	vcvt.f32.s32 v15  }
0xb3: {  	v5 =	vadd.s32 $0x1B58, v5;
	v4 =	vcvt.f32.s32 v4;
	v16 =	vtrunc.f32 v16;
	v12 =	vld.idx.msk [tilespmem:v12+s15+$0x0], $0xffff  }
0xb4: {  	v9 =	vld.idx.msk [tilespmem:v9+s15+$0x0], $0xffff;
	v16 =	vcvt.f32.s32 v16;
	v15 =	vadd.s32 $0x1B58, v15  }
0xb5: {  	v3 =	vadd.f32 v8, v3;
	v4 =	vadd.s32 $0x1F40, v4;
	v8 =	vld.idx.msk [tilespmem:v13+s15+$0x0], $0xffff  }
0xb6: {  	v10 =	vld.idx.msk [tilespmem:v10+s15+$0x0], $0xffff;
	v60 =	vadd.s32 $0x1F40, v16;
	v11 =	vadd.f32 v11, v17  }
0xb7: {  	v3 =	vadd.f32 v7, v3;
	v7 =	vld.idx.msk [tilespmem:v14+s15+$0x0], $0xffff  }
0xb8: {  	v5 =	vld.idx.msk [tilespmem:v5+s15+$0x0], $0xffff;
	v11 =	vadd.f32 v12, v11  }
0xb9: {  	v3 =	vadd.f32 v9, v3;
	v9 =	vld.idx.msk [tilespmem:v15+s15+$0x0], $0xffff  }
0xba: {  	v0 =	vadd.f32 v0, v6;
	v4 =	vld.idx.msk [tilespmem:v4+s15+$0x0], $0xffff;
	v6 =	vadd.f32 v8, v11  }
0xbb: {  	v3 =	vadd.f32 v10, v3;
	v8 =	vld.idx.msk [tilespmem:v60+s15+$0x0], $0xffff  }
0xbc: {  	v0 =	vadd.f32 v1, v0;
	v1 =	vadd.f32 v7, v6  }
0xbd: {  	v3 =	vadd.f32 v5, v3  }
0xbe: {  	v0 =	vadd.f32 v2, v0;
	v1 =	vadd.f32 v9, v1  }
0xbf: {  	v2 =	vadd.f32 v4, v3  }
0xc0: {  	[tilespmem:s26+$0x0] =	vst v0;
	v0 =	vadd.f32 v8, v1  }
0xc1: {  	[tilespmem:s28+$0x0] =	vst v2  }
0xc2: {  	[tilespmem:s2+$0x0] =	vst v0  }
0xc3: {  	s26 =	simm.s32 $0x0;
	_ =	swait.ge [sflag:s22], $0x1F40  }
0xc4: {  	s0 =	sand.u32 $0xC00, s26;
	s2 =	sand.u32 $0x70, s26;
	[sflag:s22] =	ssyncset.done $0x0  }
0xc5: {  	s0 =	sor.u32 s2, s0;
	[sflag:s22] =	ssyncadd.s32 $0xFFFFE0C0  }
0xc6: {  	v0 =	vld [tilespmem:s0+$0x1080];
	_ =	sdelay $0x1  }
0xc7: {  	v1 =	vld [tilespmem:s0+$0x1100];
	_ =	sdelay $0x1  }
0xc8: {  	v2 =	vld [tilespmem:s0+$0x1180]  }
0xc9: {  	v0 =	vtrunc.f32 v0  }
0xca: {  	v3 =	vld [tilespmem:s0+$0x1200];
	v0 =	vcvt.f32.s32 v0  }
0xcb: {  	v1 =	vtrunc.f32 v1  }
0xcc: {  	v4 =	vld [tilespmem:s0+$0x1280];
	v1 =	vcvt.f32.s32 v1;
	v0 =	vadd.s32 $0x2328, v0  }
0xcd: {  	s26 =	simm.s32 $0xB600;
	v5 =	vld [tilespmem:s0+$0x1300];
	v2 =	vtrunc.f32 v2  }
0xce: {  	v6 =	vld [tilespmem:s26+$0x0];
	v2 =	vcvt.f32.s32 v2;
	v1 =	vadd.s32 $0x2710, v1  }
0xcf: {  	s28 =	simm.s32 $0x80;
	s2 =	simm.s32 $0x10;
	v7 =	vld [tilespmem:s0+$0x1380];
	v3 =	vtrunc.f32 v3  }
0xd0: {  	s28 =	sand.u32 $0xC00, s28;
	s2 =	sand.u32 $0x70, s2;
	v8 =	vld [tilespmem:s0+$0x2000];
	v3 =	vcvt.f32.s32 v3;
	v2 =	vadd.s32 $0x2AF8, v2  }
0xd1: {  	s0 =	sor.u32 s2, s28;
	v4 =	vtrunc.f32 v4;
	v0 =	vld.idx.msk [tilespmem:v0+s15+$0x0], $0xffff  }
0xd2: {  	v9 =	vld [tilespmem:s0+$0x1080];
	v4 =	vcvt.f32.s32 v4;
	v3 =	vadd.s32 $0x2EE0, v3  }
0xd3: {  	v5 =	vtrunc.f32 v5;
	v1 =	vld.idx.msk [tilespmem:v1+s15+$0x0], $0xffff  }
0xd4: {  	v10 =	vld [tilespmem:s0+$0x1100];
	v5 =	vcvt.f32.s32 v5;
	v4 =	vadd.s32 $0x32C8, v4  }
0xd5: {  	v7 =	vtrunc.f32 v7;
	v8 =	vtrunc.f32 v8;
	v2 =	vld.idx.msk [tilespmem:v2+s15+$0x0], $0xffff  }
0xd6: {  	v61 =	vld [tilespmem:s0+$0x1300];
	v7 =	vcvt.f32.s32 v7;
	v5 =	vadd.s32 $0x36B0, v5;
	v0 =	vadd.f32 v0, v6  }
0xd7: {  	v8 =	vcvt.f32.s32 v8;
	v3 =	vld.idx.msk [tilespmem:v3+s15+$0x0], $0xffff  }
0xd8: {  	v7 =	vadd.s32 $0x3A98, v7;
	v6 =	vld [tilespmem:s0+$0x1180];
	v0 =	vadd.f32 v1, v0  }
0xd9: {  	v8 =	vadd.s32 $0x3E80, v8;
	v4 =	vld.idx.msk [tilespmem:v4+s15+$0x0], $0xffff;
	v1 =	vtrunc.f32 v9  }
0xda: {  	v9 =	vld [tilespmem:s0+$0x1200];
	v1 =	vcvt.f32.s32 v1;
	v0 =	vadd.f32 v2, v0  }
0xdb: {  	v5 =	vld.idx.msk [tilespmem:v5+s15+$0x0], $0xffff;
	v2 =	vtrunc.f32 v10  }
0xdc: {  	v10 =	vld [tilespmem:s0+$0x1280];
	v1 =	vadd.s32 $0x2328, v1;
	v2 =	vcvt.f32.s32 v2;
	v3 =	vadd.f32 v3, v0  }
0xdd: {  	v11 =	vld.idx.msk [tilespmem:v7+s15+$0x0], $0xffff;
	v6 =	vtrunc.f32 v6  }
0xde: {  	s28 =	simm.s32 $0xB610;
	v0 =	vld.idx.msk [tilespmem:v8+s15+$0x0], $0xffff;
	v6 =	vcvt.f32.s32 v6;
	v62 =	vadd.s32 $0x2710, v2;
	v4 =	vadd.f32 v4, v3  }
0xdf: {  	v2 =	vld [tilespmem:s28+$0x0];
	v3 =	vtrunc.f32 v9  }
0xe0: {  	v6 =	vadd.s32 $0x2AF8, v6;
	v8 =	vcvt.f32.s32 v3;
	v3 =	vld [tilespmem:s0+$0x1380];
	v63 =	vadd.f32 v5, v4  }
0xe1: {  	s30 =	simm.s32 $0x100;
	s2 =	simm.s32 $0x20;
	v7 =	vld.idx.msk [tilespmem:v1+s15+$0x0], $0xffff;
	v1 =	vtrunc.f32 v10  }
0xe2: {  	s29 =	sand.u32 $0xC00, s30;
	s2 =	sand.u32 $0x70, s2;
	v5 =	vld [tilespmem:s0+$0x2000];
	v4 =	vadd.s32 $0x2EE0, v8;
	v9 =	vcvt.f32.s32 v1;
	v1 =	vadd.f32 v11, v63  }
0xe3: {  	s31 =	simm.s32 $0x30;
	s29 =	sor.u32 s2, s29;
	v10 =	vtrunc.f32 v61;
	v8 =	vld.idx.msk [tilespmem:v62+s15+$0x0], $0xffff  }
.LBB2_8:
0xe4: {  	p0 =	sne.s32 s31, $0x1F0;
	v11 =	vld [tilespmem:s29+$0x1080];
	v9 =	vadd.s32 $0x32C8, v9;
	v10 =	vcvt.f32.s32 v10;
	v0 =	vadd.f32 v0, v1  }
0xe5: {  	v1 =	vld.idx.msk [tilespmem:v6+s15+$0x0], $0xffff;
	v3 =	vtrunc.f32 v3  }
0xe6: {  	v6 =	vld [tilespmem:s29+$0x1100];
	v10 =	vadd.s32 $0x36B0, v10;
	v3 =	vcvt.f32.s32 v3;
	[tilespmem:s26+$0x0] =	vst v0;
	s26 =	smov.u32 s28  }
0xe7: {  	v0 =	vadd.f32 v7, v2;
	v2 =	vld.idx.msk [tilespmem:v4+s15+$0x0], $0xffff;
	v4 =	vtrunc.f32 v5  }
0xe8: {  	v5 =	vld [tilespmem:s29+$0x1180];
	v3 =	vadd.s32 $0x3A98, v3;
	v4 =	vcvt.f32.s32 v4  }
0xe9: {  	v0 =	vadd.f32 v8, v0;
	v7 =	vld.idx.msk [tilespmem:v9+s15+$0x0], $0xffff  }
0xea: {  	v8 =	vtrunc.f32 v11;
	v9 =	vld [tilespmem:s29+$0x1200];
	v4 =	vadd.s32 $0x3E80, v4  }
0xeb: {  	v8 =	vcvt.f32.s32 v8;
	v0 =	vadd.f32 v1, v0;
	v1 =	vld.idx.msk [tilespmem:v10+s15+$0x0], $0xffff  }
0xec: {  	v6 =	vtrunc.f32 v6;
	v10 =	vld [tilespmem:s29+$0x1280]  }
0xed: {  	v8 =	vadd.s32 $0x2328, v8;
	v6 =	vcvt.f32.s32 v6;
	v0 =	vadd.f32 v2, v0;
	v11 =	vld.idx.msk [tilespmem:v3+s15+$0x0], $0xffff  }
0xee: {  	v2 =	vtrunc.f32 v5;
	v12 =	vld [tilespmem:s29+$0x1300]  }
0xef: {  	s28 =	sadd.s32 $0x10, s28;
	v13 =	vadd.s32 $0x2710, v6;
	v3 =	vcvt.f32.s32 v2;
	v5 =	vadd.f32 v7, v0;
	v0 =	vld.idx.msk [tilespmem:v4+s15+$0x0], $0xffff  }
.Ltmp3:
0xf0: {  	v4 =	vtrunc.f32 v9;
	v2 =	vld [tilespmem:s28+$0x0];
	(pc) =	sbr.rel @p0 .LBB2_8-.Ltmp3, $4  }
0xf1: {  	v6 =	vadd.s32 $0x2AF8, v3;
	v4 =	vcvt.f32.s32 v4;
	v1 =	vadd.f32 v1, v5;
	v3 =	vld [tilespmem:s29+$0x1380]  }
0xf2: {  	s30 =	sadd.s32 $0x80, s30;
	v5 =	vtrunc.f32 v10;
	v7 =	vld.idx.msk [tilespmem:v8+s15+$0x0], $0xffff  }
0xf3: {  	s0 =	sand.u32 $0x70, s31;
	s2 =	sand.u32 $0xC00, s30;
	v4 =	vadd.s32 $0x2EE0, v4;
	v9 =	vcvt.f32.s32 v5;
	v1 =	vadd.f32 v11, v1;
	v5 =	vld [tilespmem:s29+$0x2000]  }
0xf4: {  	s31 =	sadd.s32 $0x10, s31;
	s29 =	sor.u32 s0, s2;
	v10 =	vtrunc.f32 v12;
	v8 =	vld.idx.msk [tilespmem:v13+s15+$0x0], $0xffff  }
0xf5: {  	v11 =	vld [tilespmem:s29+$0x1080];
	_ =	sdelay $0x3  }
0xf6: {  	v12 =	vld [tilespmem:s29+$0x1100]  }
0xf7: {  	v11 =	vtrunc.f32 v11  }
0xf8: {  	v13 =	vld [tilespmem:s29+$0x1180];
	v11 =	vcvt.f32.s32 v11;
	_ =	sdelay $0x1  }
0xf9: {  	v14 =	vld [tilespmem:s29+$0x1200];
	v11 =	vadd.s32 $0x2328, v11  }
0xfa: {  	v12 =	vtrunc.f32 v12  }
0xfb: {  	v15 =	vld [tilespmem:s29+$0x1280];
	v12 =	vcvt.f32.s32 v12  }
0xfc: {  	s0 =	sadd.s32 $0x10, s28;
	v17 =	vld [tilespmem:s29+$0x1300];
	v13 =	vtrunc.f32 v13  }
0xfd: {  	v16 =	vld [tilespmem:s0+$0x0];
	v13 =	vcvt.f32.s32 v13;
	v12 =	vadd.s32 $0x2710, v12  }
0xfe: {  	v2 =	vadd.f32 v7, v2;
	v7 =	vtrunc.f32 v14;
	v11 =	vld.idx.msk [tilespmem:v11+s15+$0x0], $0xffff  }
0xff: {  	v56 =	vld [tilespmem:s29+$0x1380];
	v7 =	vcvt.f32.s32 v7;
	v13 =	vadd.s32 $0x2AF8, v13  }
0x100: {  	v2 =	vadd.f32 v8, v2;
	v8 =	vtrunc.f32 v15  }
0x101: {  	v57 =	vld [tilespmem:s29+$0x2000];
	v10 =	vcvt.f32.s32 v10;
	v8 =	vcvt.f32.s32 v8;
	v7 =	vadd.s32 $0x2EE0, v7  }
0x102: {  	v9 =	vadd.s32 $0x32C8, v9;
	v3 =	vtrunc.f32 v3;
	v58 =	vtrunc.f32 v17;
	v12 =	vld.idx.msk [tilespmem:v12+s15+$0x0], $0xffff  }
0x103: {  	v6 =	vld.idx.msk [tilespmem:v6+s15+$0x0], $0xffff;
	v8 =	vadd.s32 $0x32C8, v8;
	v11 =	vadd.f32 v11, v16;
	v16 =	vcvt.f32.s32 v58  }
0x104: {  	v10 =	vadd.s32 $0x36B0, v10;
	v3 =	vcvt.f32.s32 v3;
	v14 =	vtrunc.f32 v56;
	v13 =	vld.idx.msk [tilespmem:v13+s15+$0x0], $0xffff  }
0x105: {  	v4 =	vld.idx.msk [tilespmem:v4+s15+$0x0], $0xffff;
	v5 =	vtrunc.f32 v5;
	v14 =	vcvt.f32.s32 v14;
	v16 =	vadd.s32 $0x36B0, v16  }
0x106: {  	v3 =	vadd.s32 $0x3A98, v3;
	v5 =	vcvt.f32.s32 v5;
	v15 =	vtrunc.f32 v57;
	v7 =	vld.idx.msk [tilespmem:v7+s15+$0x0], $0xffff  }
0x107: {  	v9 =	vld.idx.msk [tilespmem:v9+s15+$0x0], $0xffff;
	v60 =	vcvt.f32.s32 v15;
	v59 =	vadd.s32 $0x3A98, v14;
	v11 =	vadd.f32 v12, v11  }
0x108: {  	v2 =	vadd.f32 v6, v2;
	v5 =	vadd.s32 $0x3E80, v5;
	v6 =	vld.idx.msk [tilespmem:v8+s15+$0x0], $0xffff  }
0x109: {  	v10 =	vld.idx.msk [tilespmem:v10+s15+$0x0], $0xffff;
	v8 =	vadd.f32 v13, v11;
	v11 =	vadd.s32 $0x3E80, v60  }
0x10a: {  	v2 =	vadd.f32 v4, v2;
	v4 =	vld.idx.msk [tilespmem:v16+s15+$0x0], $0xffff  }
0x10b: {  	v3 =	vld.idx.msk [tilespmem:v3+s15+$0x0], $0xffff;
	v7 =	vadd.f32 v7, v8  }
0x10c: {  	v2 =	vadd.f32 v9, v2;
	v8 =	vld.idx.msk [tilespmem:v59+s15+$0x0], $0xffff  }
0x10d: {  	v5 =	vld.idx.msk [tilespmem:v5+s15+$0x0], $0xffff;
	v6 =	vadd.f32 v6, v7  }
0x10e: {  	v2 =	vadd.f32 v10, v2;
	v7 =	vld.idx.msk [tilespmem:v11+s15+$0x0], $0xffff  }
0x10f: {  	v4 =	vadd.f32 v4, v6  }
0x110: {  	v2 =	vadd.f32 v3, v2  }
0x111: {  	v0 =	vadd.f32 v0, v1;
	v1 =	vadd.f32 v8, v4  }
0x112: {  	v2 =	vadd.f32 v5, v2  }
0x113: {  	[tilespmem:s26+$0x0] =	vst v0;
	v0 =	vadd.f32 v7, v1  }
0x114: {  	[tilespmem:s28+$0x0] =	vst v2  }
0x115: {  	[tilespmem:s0+$0x0] =	vst v0  }
0x116: {  	s26 =	simm.s32 $0x0;
	_ =	swait.ge [sflag:s23], $0x2328  }
0x117: {  	s2 =	sand.u32 $0x70, s26;
	s0 =	sand.u32 $0xC00, s26;
	[sflag:s23] =	ssyncset.done $0x0  }
0x118: {  	s0 =	sor.u32 s2, s0;
	[sflag:s23] =	ssyncadd.s32 $0xFFFFDCD8  }
0x119: {  	v0 =	vld [tilespmem:s0+$0x2080];
	_ =	sdelay $0x1  }
0x11a: {  	v1 =	vld [tilespmem:s0+$0x2100];
	_ =	sdelay $0x1  }
0x11b: {  	v2 =	vld [tilespmem:s0+$0x2180]  }
0x11c: {  	v3 =	vld [tilespmem:s0+$0x2200];
	v0 =	vtrunc.f32 v0  }
0x11d: {  	v0 =	vcvt.f32.s32 v0  }
0x11e: {  	v4 =	vld [tilespmem:s0+$0x2280];
	v1 =	vtrunc.f32 v1  }
0x11f: {  	s26 =	simm.s32 $0xB600;
	v5 =	vld [tilespmem:s0+$0x2300];
	v1 =	vcvt.f32.s32 v1;
	v0 =	vadd.s32 $0x4268, v0  }
0x120: {  	v6 =	vld [tilespmem:s26+$0x0];
	v2 =	vtrunc.f32 v2  }
0x121: {  	v7 =	vld [tilespmem:s0+$0x2380];
	v3 =	vtrunc.f32 v3;
	v2 =	vcvt.f32.s32 v2;
	v1 =	vadd.s32 $0x4650, v1  }
0x122: {  	s28 =	simm.s32 $0x80;
	s2 =	simm.s32 $0x10;
	v8 =	vld [tilespmem:s0+$0x3000];
	v3 =	vcvt.f32.s32 v3  }
0x123: {  	s28 =	sand.u32 $0xC00, s28;
	s2 =	sand.u32 $0x70, s2;
	v9 =	vld [tilespmem:s0+$0x3080];
	v4 =	vtrunc.f32 v4;
	v2 =	vadd.s32 $0x4A38, v2  }
0x124: {  	s0 =	sor.u32 s2, s28;
	v4 =	vcvt.f32.s32 v4;
	v3 =	vadd.s32 $0x4E20, v3;
	v0 =	vld.idx.msk [tilespmem:v0+s15+$0x0], $0xffff  }
0x125: {  	v10 =	vld [tilespmem:s0+$0x2080]  }
0x126: {  	v5 =	vtrunc.f32 v5;
	v4 =	vadd.s32 $0x5208, v4;
	v1 =	vld.idx.msk [tilespmem:v1+s15+$0x0], $0xffff  }
0x127: {  	v11 =	vld [tilespmem:s0+$0x2280];
	v5 =	vcvt.f32.s32 v5  }
0x128: {  	v7 =	vtrunc.f32 v7;
	v9 =	vtrunc.f32 v9;
	v2 =	vld.idx.msk [tilespmem:v2+s15+$0x0], $0xffff  }
0x129: {  	v7 =	vcvt.f32.s32 v7;
	v5 =	vadd.s32 $0x55F0, v5;
	v3 =	vld.idx.msk [tilespmem:v3+s15+$0x0], $0xffff;
	v0 =	vadd.f32 v0, v6  }
0x12a: {  	v8 =	vtrunc.f32 v8;
	v9 =	vcvt.f32.s32 v9;
	v6 =	vld [tilespmem:s0+$0x2100]  }
0x12b: {  	v8 =	vcvt.f32.s32 v8;
	v7 =	vadd.s32 $0x59D8, v7;
	v4 =	vld.idx.msk [tilespmem:v4+s15+$0x0], $0xffff;
	v0 =	vadd.f32 v1, v0  }
0x12c: {  	v9 =	vadd.s32 $0x61A8, v9;
	v1 =	vld [tilespmem:s0+$0x2180]  }
0x12d: {  	v63 =	vld [tilespmem:s0+$0x2380];
	v8 =	vadd.s32 $0x5DC0, v8;
	v0 =	vadd.f32 v2, v0;
	v2 =	vtrunc.f32 v10  }
0x12e: {  	v5 =	vld.idx.msk [tilespmem:v5+s15+$0x0], $0xffff;
	v2 =	vcvt.f32.s32 v2  }
0x12f: {  	v10 =	vld [tilespmem:s0+$0x2200];
	v0 =	vadd.f32 v3, v0;
	v3 =	vtrunc.f32 v6  }
0x130: {  	v7 =	vld.idx.msk [tilespmem:v7+s15+$0x0], $0xffff;
	v6 =	vadd.s32 $0x4268, v2;
	v2 =	vcvt.f32.s32 v3  }
0x131: {  	v61 =	vld.idx.msk [tilespmem:v9+s15+$0x0], $0xffff;
	v1 =	vtrunc.f32 v1;
	v0 =	vadd.f32 v4, v0  }
0x132: {  	v3 =	vld.idx.msk [tilespmem:v8+s15+$0x0], $0xffff;
	v1 =	vcvt.f32.s32 v1;
	v4 =	vadd.s32 $0x4650, v2  }
0x133: {  	s28 =	simm.s32 $0xB610;
	v8 =	vld [tilespmem:s0+$0x2300];
	v0 =	vadd.f32 v5, v0  }
0x134: {  	v2 =	vld [tilespmem:s28+$0x0];
	v62 =	vadd.s32 $0x4A38, v1;
	v1 =	vtrunc.f32 v10  }
0x135: {  	v9 =	vcvt.f32.s32 v1;
	v1 =	vld [tilespmem:s0+$0x3000];
	v0 =	vadd.f32 v7, v0  }
0x136: {  	v5 =	vtrunc.f32 v11;
	v6 =	vld.idx.msk [tilespmem:v6+s15+$0x0], $0xffff  }
0x137: {  	v5 =	vcvt.f32.s32 v5;
	v0 =	vadd.f32 v3, v0;
	v7 =	vld.idx.msk [tilespmem:v4+s15+$0x0], $0xffff;
	v4 =	vadd.s32 $0x4E20, v9  }
0x138: {  	s30 =	simm.s32 $0x100;
	s2 =	simm.s32 $0x20;
	v8 =	vtrunc.f32 v8  }
0x139: {  	s29 =	sand.u32 $0xC00, s30;
	s2 =	sand.u32 $0x70, s2;
	v3 =	vadd.s32 $0x5208, v5;
	v5 =	vld [tilespmem:s0+$0x3080];
	v9 =	vcvt.f32.s32 v8;
	v0 =	vadd.f32 v61, v0  }
0x13a: {  	s31 =	simm.s32 $0x30;
	s29 =	sor.u32 s2, s29;
	v10 =	vtrunc.f32 v63;
	v8 =	vld.idx.msk [tilespmem:v62+s15+$0x0], $0xffff  }
.LBB2_10:
0x13b: {  	p0 =	sne.s32 s31, $0x1F0;
	v11 =	vld [tilespmem:s29+$0x2080];
	v9 =	vadd.s32 $0x55F0, v9;
	v10 =	vcvt.f32.s32 v10;
	[tilespmem:s26+$0x0] =	vst v0;
	s26 =	smov.u32 s28  }
0x13c: {  	v0 =	vadd.f32 v6, v2;
	v2 =	vld.idx.msk [tilespmem:v4+s15+$0x0], $0xffff;
	v1 =	vtrunc.f32 v1  }
0x13d: {  	v4 =	vld [tilespmem:s29+$0x2100];
	v6 =	vadd.s32 $0x59D8, v10;
	v1 =	vcvt.f32.s32 v1  }
0x13e: {  	v0 =	vadd.f32 v7, v0;
	v3 =	vld.idx.msk [tilespmem:v3+s15+$0x0], $0xffff;
	v5 =	vtrunc.f32 v5  }
0x13f: {  	v7 =	vld [tilespmem:s29+$0x2180];
	v1 =	vadd.s32 $0x5DC0, v1;
	v5 =	vcvt.f32.s32 v5  }
0x140: {  	v0 =	vadd.f32 v8, v0;
	v8 =	vld.idx.msk [tilespmem:v9+s15+$0x0], $0xffff  }
0x141: {  	v9 =	vtrunc.f32 v11;
	v10 =	vld [tilespmem:s29+$0x2200];
	v5 =	vadd.s32 $0x61A8, v5  }
0x142: {  	v9 =	vcvt.f32.s32 v9;
	v0 =	vadd.f32 v2, v0;
	v6 =	vld.idx.msk [tilespmem:v6+s15+$0x0], $0xffff  }
0x143: {  	v2 =	vtrunc.f32 v4;
	v4 =	vld [tilespmem:s29+$0x2280]  }
0x144: {  	v9 =	vadd.s32 $0x4268, v9;
	v2 =	vcvt.f32.s32 v2;
	v0 =	vadd.f32 v3, v0;
	v3 =	vld.idx.msk [tilespmem:v1+s15+$0x0], $0xffff  }
0x145: {  	v1 =	vtrunc.f32 v7;
	v11 =	vld [tilespmem:s29+$0x2300]  }
0x146: {  	s28 =	sadd.s32 $0x10, s28;
	v7 =	vadd.s32 $0x4650, v2;
	v1 =	vcvt.f32.s32 v1;
	v0 =	vadd.f32 v8, v0;
	v8 =	vld.idx.msk [tilespmem:v5+s15+$0x0], $0xffff  }
0x147: {  	v5 =	vtrunc.f32 v10;
	v2 =	vld [tilespmem:s28+$0x0]  }
0x148: {  	v10 =	vadd.s32 $0x4A38, v1;
	v1 =	vcvt.f32.s32 v5;
	v0 =	vadd.f32 v6, v0;
	v12 =	vld [tilespmem:s29+$0x2380]  }
.Ltmp4:
0x149: {  	v5 =	vtrunc.f32 v4;
	v6 =	vld.idx.msk [tilespmem:v9+s15+$0x0], $0xffff;
	(pc) =	sbr.rel @p0 .LBB2_10-.Ltmp4, $4  }
0x14a: {  	v4 =	vadd.s32 $0x4E20, v1;
	v5 =	vcvt.f32.s32 v5;
	v0 =	vadd.f32 v3, v0;
	v1 =	vld [tilespmem:s29+$0x3000]  }
0x14b: {  	s30 =	sadd.s32 $0x80, s30;
	v9 =	vtrunc.f32 v11;
	v7 =	vld.idx.msk [tilespmem:v7+s15+$0x0], $0xffff  }
0x14c: {  	s0 =	sand.u32 $0x70, s31;
	s2 =	sand.u32 $0xC00, s30;
	v3 =	vadd.s32 $0x5208, v5;
	v9 =	vcvt.f32.s32 v9;
	v0 =	vadd.f32 v8, v0;
	v5 =	vld [tilespmem:s29+$0x3080]  }
0x14d: {  	s31 =	sadd.s32 $0x10, s31;
	s29 =	sor.u32 s0, s2;
	v8 =	vld.idx.msk [tilespmem:v10+s15+$0x0], $0xffff;
	v10 =	vtrunc.f32 v12  }
0x14e: {  	v11 =	vld [tilespmem:s29+$0x2080];
	_ =	sdelay $0x1  }
0x14f: {  	v12 =	vld [tilespmem:s29+$0x2100];
	_ =	sdelay $0x1  }
0x150: {  	v13 =	vld [tilespmem:s29+$0x2180]  }
0x151: {  	v11 =	vtrunc.f32 v11  }
0x152: {  	v14 =	vld [tilespmem:s29+$0x2200];
	v11 =	vcvt.f32.s32 v11  }
0x153: {  	v12 =	vtrunc.f32 v12  }
0x154: {  	v15 =	vld [tilespmem:s29+$0x2280];
	v12 =	vcvt.f32.s32 v12;
	v11 =	vadd.s32 $0x4268, v11  }
0x155: {  	v13 =	vtrunc.f32 v13  }
0x156: {  	v17 =	vld [tilespmem:s29+$0x2300];
	v13 =	vcvt.f32.s32 v13;
	v12 =	vadd.s32 $0x4650, v12  }
0x157: {  	s30 =	sadd.s32 $0x10, s28;
	v44 =	vld [tilespmem:s29+$0x2380];
	v43 =	vtrunc.f32 v14  }
0x158: {  	v2 =	vadd.f32 v6, v2;
	v16 =	vld [tilespmem:s30+$0x0];
	v6 =	vcvt.f32.s32 v43;
	v13 =	vadd.s32 $0x4A38, v13  }
0x159: {  	v10 =	vcvt.f32.s32 v10;
	v45 =	vtrunc.f32 v15;
	v11 =	vld.idx.msk [tilespmem:v11+s15+$0x0], $0xffff  }
0x15a: {  	v46 =	vld [tilespmem:s29+$0x3000];
	v2 =	vadd.f32 v7, v2;
	v7 =	vcvt.f32.s32 v45;
	v6 =	vadd.s32 $0x4E20, v6  }
0x15b: {  	v1 =	vtrunc.f32 v1;
	v47 =	vtrunc.f32 v17;
	v12 =	vld.idx.msk [tilespmem:v12+s15+$0x0], $0xffff  }
0x15c: {  	v48 =	vld [tilespmem:s29+$0x3080];
	v2 =	vadd.f32 v8, v2;
	v8 =	vcvt.f32.s32 v47;
	v7 =	vadd.s32 $0x5208, v7  }
0x15d: {  	v9 =	vadd.s32 $0x55F0, v9;
	v1 =	vcvt.f32.s32 v1;
	v50 =	vtrunc.f32 v44;
	v49 =	vld.idx.msk [tilespmem:v13+s15+$0x0], $0xffff  }
0x15e: {  	v4 =	vld.idx.msk [tilespmem:v4+s15+$0x0], $0xffff;
	v8 =	vadd.s32 $0x55F0, v8;
	v13 =	vcvt.f32.s32 v50;
	v11 =	vadd.f32 v11, v16  }
0x15f: {  	v10 =	vadd.s32 $0x59D8, v10;
	v5 =	vtrunc.f32 v5;
	v51 =	vtrunc.f32 v46;
	v6 =	vld.idx.msk [tilespmem:v6+s15+$0x0], $0xffff  }
0x160: {  	v3 =	vld.idx.msk [tilespmem:v3+s15+$0x0], $0xffff;
	v14 =	vcvt.f32.s32 v51;
	v13 =	vadd.s32 $0x59D8, v13;
	v11 =	vadd.f32 v12, v11  }
0x161: {  	v1 =	vadd.s32 $0x5DC0, v1;
	v5 =	vcvt.f32.s32 v5;
	v52 =	vtrunc.f32 v48;
	v7 =	vld.idx.msk [tilespmem:v7+s15+$0x0], $0xffff  }
0x162: {  	v9 =	vld.idx.msk [tilespmem:v9+s15+$0x0], $0xffff;
	v54 =	vcvt.f32.s32 v52;
	v53 =	vadd.s32 $0x5DC0, v14;
	v11 =	vadd.f32 v49, v11  }
0x163: {  	v2 =	vadd.f32 v4, v2;
	v55 =	vadd.s32 $0x61A8, v5;
	v56 =	vld.idx.msk [tilespmem:v8+s15+$0x0], $0xffff  }
0x164: {  	v57 =	vld.idx.msk [tilespmem:v10+s15+$0x0], $0xffff;
	v58 =	vadd.s32 $0x61A8, v54;
	v6 =	vadd.f32 v6, v11  }
0x165: {  	v2 =	vadd.f32 v3, v2;
	v59 =	vld.idx.msk [tilespmem:v13+s15+$0x0], $0xffff  }
0x166: {  	v1 =	vld.idx.msk [tilespmem:v1+s15+$0x0], $0xffff;
	v6 =	vadd.f32 v7, v6  }
0x167: {  	v2 =	vadd.f32 v9, v2;
	v60 =	vld.idx.msk [tilespmem:v53+s15+$0x0], $0xffff  }
0x168: {  	v4 =	vld.idx.msk [tilespmem:v55+s15+$0x0], $0xffff;
	v5 =	vadd.f32 v56, v6  }
0x169: {  	v2 =	vadd.f32 v57, v2;
	v61 =	vld.idx.msk [tilespmem:v58+s15+$0x0], $0xffff  }
0x16a: {  	v3 =	vadd.f32 v59, v5  }
0x16b: {  	v1 =	vadd.f32 v1, v2  }
0x16c: {  	v62 =	vadd.f32 v60, v3  }
0x16d: {  	v1 =	vadd.f32 v4, v1  }
0x16e: {  	[tilespmem:s26+$0x0] =	vst v0;
	s25 =	sadd.s32 $0x1, s25;
	v63 =	vadd.f32 v61, v62  }
0x16f: {  	p0 =	sne.s32 s25, s10;
	[tilespmem:s28+$0x0] =	vst v1  }
.Ltmp5:
0x170: {  	[tilespmem:s30+$0x0] =	vst v63;
	(pc) =	sbr.rel @p0 .LBB2_1-.Ltmp5, $4  }
0x171: {  	[hbm4b:s9+s3] =	stream.linear.scatter [tilespmem:s24], [sflag:$0x6], $0x200, $0x38;
	[tilespmem:$0xB800] =	vst v63  }
0x172: {  	_ =	swait.ge [sflag:s14], $0x200  }
0x173: {  	[sflag:s14] =	ssyncset.done $0x0  }
0x174: {  	[sflag:s14] =	ssyncadd.s32 $0xFFFFFE00  }
0x175: {  	_ =	sfence.sel $0x180000  }
0x176: {  	[bflag:$0x0] =	sbarrier.arrive $0xFFFF  }
0x177: {  	_ =	strace $0x90000047  }
0x178: {  	s0 =	stileid.u32;
	[bflag:$0x2] =	sbarrier.arrive $0xFFFF  }
0x179: {  	p0 =	sne.s32 s0, $0x0;
	s0 =	rddreg [dreg:$0x3]  }
0x17a: {  	s0 =	sadd.s32 @!p0 $0x100000, s0  }
0x17b: {  	[sflag:s0] =	ssyncadd.tile.s32 @!p0 $0x1;
	_ =	shalt  }
.Lfunc_end2:
_tile_overlayer_lowered:
.L_overlay_start_2:
0x17c: {  	(tag) =	ssettag $0x2  }
0x17d: {  	s0 =	rddreg [dreg:$0x0];
	s2 =	stileid.u32  }
0x17e: {  	s1 =	rddreg [dreg:$0x1];
	p0 =	sne.s32 s2, $0x0  }
0x17f: {  	s3 =	rddreg [dreg:$0x2];
	[bflag:$0x3] =	sbarrier.arrive $0xFFFF;
	s2 =	simm.s32 @!p0 $0x1C06  }
0x180: {  	[timem:s3], [sflag:s2] =	dma.local @!p0 [hbm:s0], s1  }
0x181: {  	s0 =	simm.s32 @!p0 $0x6  }
0x182: {  	_ =	swait.ge @!p0 [sflag:s0], s1  }
0x183: {  	s1 =	ssub.s32 @!p0 $0x0, s1;
	[sflag:s0] =	ssyncset.done @!p0 $0x0  }
0x184: {  	[sflag:s0] =	ssyncadd.s32 @!p0 s1  }
0x185: {  	[bflag:$0x3] =	sbarrier.arrive $0xFFFF  }
0x186: {  	_ =	shalt  }

</sc_bundles>
